<compile_context>
chip_gen: v7x
topology: tpu7x:2x2x1
jax: 0.10.2.dev20260603
libtpu: 0.0.44.dev20260713+nightly
codegen_flags: <defaults>
</compile_context>

<pallas_src>
import functools

import jax
import jax.numpy as jnp
from jax import lax
from jax.experimental import pallas as pl
from jax.experimental.pallas import tpu as pltpu
from jax.experimental.pallas import tpu_sc as plsc

_B, _N, _D = 4, 4096, 768
_C = 256
_LORA_SCALING = 32.0 / 16.0


def _fps_safety_body(x_ref, y_ref, z_ref, ci_ref, ssg_ref, ssd_ref, ssc_ref,
                     nidx_ref):
    sub = lax.broadcasted_iota(jnp.int32, (_B, 32, 128), 1)
    lane = lax.broadcasted_iota(jnp.int32, (_B, 32, 128), 2)
    nidx_ref[...] = sub * 128 + lane
    col_c = lax.broadcasted_iota(jnp.int32, (_B, _C), 1)

    def extract(v, mask):
        return jnp.sum(jnp.where(mask, v, 0.0), axis=(1, 2), keepdims=True)

    def body(i, st):
        dist, ci, ccx, ccy, ccz, last = st
        x = x_ref[...]
        y = y_ref[...]
        z = z_ref[...]
        nidx = nidx_ref[...]
        mask = nidx == last
        dist = jnp.where(mask, 0.0, dist)
        px = extract(x, mask)
        py = extract(y, mask)
        pz = extract(z, mask)
        ccx = jnp.where(col_c == i - 1, px[:, :, 0], ccx)
        ccy = jnp.where(col_c == i - 1, py[:, :, 0], ccy)
        ccz = jnp.where(col_c == i - 1, pz[:, :, 0], ccz)
        dx = x - px
        dy = y - py
        dz = z - pz
        d = jnp.sqrt(dx * dx + dy * dy + dz * dz)
        dist = jnp.minimum(dist, d)
        m = jnp.max(dist, axis=(1, 2), keepdims=True)
        nxt = jnp.min(jnp.where(dist == m, nidx, _N), axis=(1, 2),
                      keepdims=True)
        ci = jnp.where(col_c == i, nxt[:, :, 0], ci)
        return dist, ci, ccx, ccy, ccz, nxt

    dist0 = jnp.full((_B, 32, 128), jnp.inf, jnp.float32)
    ci0 = jnp.zeros((_B, _C), jnp.int32)
    cc0 = jnp.zeros((_B, _C), jnp.float32)
    last0 = jnp.zeros((_B, 1, 1), jnp.int32)
    _, ci, ccx, ccy, ccz, last = lax.fori_loop(
        1, _C, body, (dist0, ci0, cc0, cc0, cc0, last0), unroll=4)
    x = x_ref[...]
    y = y_ref[...]
    z = z_ref[...]
    nidx = nidx_ref[...]
    mask = nidx == last
    px = extract(x, mask)
    py = extract(y, mask)
    pz = extract(z, mask)
    ccx = jnp.where(col_c == _C - 1, px[:, :, 0], ccx)
    ccy = jnp.where(col_c == _C - 1, py[:, :, 0], ccy)
    ccz = jnp.where(col_c == _C - 1, pz[:, :, 0], ccz)

    meanz = jnp.mean(z, axis=(1, 2), keepdims=True)
    ssg_ref[...] = 1.0 + jax.nn.sigmoid((ccz - meanz[:, :, 0]) / 5.0) * 0.95

    zv = (jnp.sum((z - meanz) ** 2, axis=(1, 2), keepdims=True)
          / jnp.float32(_N - 1))
    ssc_ref[...] = jnp.broadcast_to(
        1.0 + jnp.exp(-zv[:, :, 0] / 0.1) * 0.9, (_B, 128))

    col64 = lax.broadcasted_iota(jnp.int32, (_B, 64), 1)

    def dbody(j, cd):
        xd = x_ref[...]
        yd = y_ref[...]
        zd = z_ref[...]
        sel = col_c == j
        cxj = jnp.sum(jnp.where(sel, ccx, 0.0), axis=1, keepdims=True)
        cyj = jnp.sum(jnp.where(sel, ccy, 0.0), axis=1, keepdims=True)
        czj = jnp.sum(jnp.where(sel, ccz, 0.0), axis=1, keepdims=True)
        sqc = (cxj * cxj + cyj * cyj + czj * czj)[:, :, None]
        sq = xd * xd + yd * yd + zd * zd
        e = cxj[:, :, None] * xd + cyj[:, :, None] * yd + czj[:, :, None] * zd
        d2 = (sqc + sq) - 2.0 * e
        d = jnp.sqrt(jnp.maximum(d2, 0.0))
        cnt = jnp.sum(jnp.where(d < 0.5, 1.0, 0.0), axis=(1, 2),
                      keepdims=True)
        return jnp.where(col64 == j, cnt[:, :, 0], cd)

    cd = lax.fori_loop(0, 64, dbody, jnp.zeros((_B, 64), jnp.float32))
    ssd_ref[...] = 1.0 + cd / jnp.float32(_N) * 0.95

    row = lax.broadcasted_iota(jnp.int32, (_B, _C), 0)
    ci_ref[...] = ci + _N * row


def _fps_safety(xc, yc, zc):
    return pl.pallas_call(
        _fps_safety_body,
        out_shape=[
            jax.ShapeDtypeStruct((_B, _C), jnp.int32),
            jax.ShapeDtypeStruct((_B, _C), jnp.float32),
            jax.ShapeDtypeStruct((_B, 64), jnp.float32),
            jax.ShapeDtypeStruct((_B, 128), jnp.float32),
        ],
        scratch_shapes=[pltpu.VMEM((_B, 32, 128), jnp.int32)],
    )(xc.reshape(_B, 32, 128), yc.reshape(_B, 32, 128),
      zc.reshape(_B, 32, 128))


def _sc_gather(table, idx):
    info = plsc.get_sparse_core_info()
    nc, ns = info.num_cores, info.num_subcores
    nw = nc * ns
    rows_total = _B * _C
    rpw = rows_total // nw
    mesh = plsc.VectorSubcoreMesh(core_axis_name="c", subcore_axis_name="s")

    @functools.partial(
        pl.kernel,
        mesh=mesh,
        out_type=jax.ShapeDtypeStruct((rows_total, _D), jnp.float32),
        scratch_types=[
            pltpu.VMEM((rpw,), jnp.int32),
            pltpu.VMEM((rpw, _D), jnp.float32),
            pltpu.SemaphoreType.DMA,
        ],
    )
    def gk(table_hbm, idx_hbm, out_hbm, idx_v, rows_v, sem):
        wid = lax.axis_index("s") * nc + lax.axis_index("c")
        base = wid * rpw
        pltpu.sync_copy(idx_hbm.at[pl.ds(base, rpw)], idx_v)
        pltpu.async_copy(table_hbm.at[idx_v], rows_v, sem).wait()
        pltpu.sync_copy(rows_v, out_hbm.at[pl.ds(base, rpw)])

    return gk(table, idx)


def _dotg(a, b):
    return lax.dot_general(a, b, (((1,), (1,)), ((), ())),
                           preferred_element_type=jnp.float32)


def _main_body(cf_ref, ssgT_ref, ssdT_ref, sscT_ref,
               gw1_ref, gb1_ref, gw2_ref, gb2_ref,
               cw1_ref, cb1_ref, cw2_ref, cb2_ref,
               dw1_ref, db1_ref, dw2_ref, db2_ref,
               mw1_ref, mb1_ref, mw2_ref, mb2_ref,
               lng_ref, lnb_ref,
               qa_ref, qb_ref, qs_ref,
               ka_ref, kb_ref, ks_ref,
               va_ref, vb_ref, vs_ref,
               out_ref, tok_ref):
    scales = [
        (0, 256, 16, gw1_ref, gb1_ref, gw2_ref, gb2_ref, ssgT_ref),
        (16, 128, 16, cw1_ref, cb1_ref, cw2_ref, cb2_ref, sscT_ref),
        (32, 64, 8, dw1_ref, db1_ref, dw2_ref, db2_ref, ssdT_ref),
    ]
    neg_inf = jnp.float32(-jnp.inf)
    for b in range(_B):
        for off, c_s, s_s, w1, b1, w2, b2, ss_r in scales:
            a = cf_ref[pl.ds(b * _C, c_s), :]
            h = jax.nn.relu(_dotg(a, w1[...]) + b1[...])
            p = jax.nn.sigmoid(_dotg(h, w2[...]) + b2[...])
            fin = p * ss_r[0:c_s, b:b + 1]
            scores = jnp.mean(fin, axis=1, keepdims=True)
            iota_c = lax.broadcasted_iota(jnp.int32, (c_s, 1), 0)

            def pick(s, sc, b=b, off=off, c_s=c_s, iota_c=iota_c):
                mm = jnp.max(sc)
                nxt = jnp.min(jnp.where(sc == mm, iota_c, c_s))
                tok_ref[pl.ds(40 * b + off + s, 1), :] = (
                    cf_ref[pl.ds(b * _C + nxt, 1), :])
                return jnp.where(iota_c == nxt, neg_inf, sc)

            lax.fori_loop(0, s_s, pick, scores)

    tokens = tok_ref[...]
    h1 = jax.nn.relu(_dotg(tokens, mw1_ref[...]) + mb1_ref[...])
    h = _dotg(h1, mw2_ref[...]) + mb2_ref[...]
    mu = jnp.mean(h, axis=1, keepdims=True)
    var = jnp.mean((h - mu) ** 2, axis=1, keepdims=True)
    enh = (h - mu) / jnp.sqrt(var + 1e-5) * lng_ref[...] + lnb_ref[...]
    out_ref[pl.ds(0, 160), :] = enh
    heads = [(qa_ref, qb_ref, qs_ref), (ka_ref, kb_ref, ks_ref),
             (va_ref, vb_ref, vs_ref)]
    for i, (a_w, b_w, s_w) in enumerate(heads):
        t = _dotg(_dotg(enh, a_w[...]), b_w[...]) * _LORA_SCALING * s_w[...]
        out_ref[pl.ds(160 * (i + 1), 160), :] = t


def _main(cf, ssgT, ssdT, sscT, weights):
    return pl.pallas_call(
        _main_body,
        out_shape=jax.ShapeDtypeStruct((4 * _B * 40, _D), jnp.float32),
        scratch_shapes=[pltpu.VMEM((_B * 40, _D), jnp.float32)],
    )(cf, ssgT, ssdT, sscT, *weights)


def kernel(point_features, point_coords,
           g_W1, g_b1, g_W2, g_b2,
           c_W1, c_b1, c_W2, c_b2,
           d_W1, d_b1, d_W2, d_b2,
           m_W1, m_b1, m_W2, m_b2,
           ln_g, ln_b,
           q_A, q_B, q_s, k_A, k_B, k_s, v_A, v_B, v_s):
    xc = point_coords[:, :, 0]
    yc = point_coords[:, :, 1]
    zc = point_coords[:, :, 2]
    ci, ssg, ssd, ssc = _fps_safety(xc, yc, zc)
    cf = _sc_gather(point_features.reshape(_B * _N, _D), ci.reshape(_B * _C))
    weights = (
        g_W1, g_b1.reshape(1, -1), g_W2, g_b2.reshape(1, -1),
        c_W1, c_b1.reshape(1, -1), c_W2, c_b2.reshape(1, -1),
        d_W1, d_b1.reshape(1, -1), d_W2, d_b2.reshape(1, -1),
        m_W1, m_b1.reshape(1, -1), m_W2, m_b2.reshape(1, -1),
        ln_g.reshape(1, -1), ln_b.reshape(1, -1),
        q_A, q_B, q_s.reshape(1, -1),
        k_A, k_B, k_s.reshape(1, -1),
        v_A, v_B, v_s.reshape(1, -1),
    )
    out2d = _main(cf, ssg.T, ssd.T, ssc.T, weights)
    return out2d.reshape(4, _B, 40, _D)

# --- scband reference (transcript-rebuilt; emitter-appended) ---
"""Pipeline reference for scband-scaffold-point-lo-ra-46024869544429 (READ-ONLY COPY).

The authoritative reference and input builder live on the scoring server;
editing this copy changes nothing except your own understanding.
"""

import jax, jax.numpy as jnp
import numpy as np

HS = 768
SCALES = {'global': (256, 16), 'component': (128, 16), 'detail': (64, 8)}
LORA_SCALING = 32.0 / 16.0


def _fps(coords, num_samples):
    coords = jax.lax.stop_gradient(coords)
    B, N, _ = coords.shape
    bidx = jnp.arange(B)

    def body(i, state):
        sampled, distances, last = state
        last_pts = coords[bidx, last]
        d = jnp.linalg.norm(coords - last_pts[:, None, :], axis=2)
        distances = jnp.minimum(distances, d)
        nxt = jnp.argmax(distances, axis=1).astype(jnp.int32)
        distances = distances.at[bidx, nxt].set(0.0)
        sampled = sampled.at[:, i].set(nxt)
        return (sampled, distances, nxt)

    sampled0 = jnp.zeros((B, num_samples), dtype=jnp.int32)
    dist0 = jnp.full((B, N), jnp.inf, dtype=coords.dtype)
    last0 = jnp.zeros((B,), dtype=jnp.int32)
    sampled, _, _ = jax.lax.fori_loop(1, num_samples, body, (sampled0, dist0, last0))
    return sampled


def _safety(coords, scale):
    B, N, _ = coords.shape
    s = jnp.ones((B, N), coords.dtype)
    if scale == 'global':
        hr = jax.nn.sigmoid((coords[:, :, 2] - coords[:, :, 2].mean(axis=1, keepdims=True)) / 5.0)
        s = s * (1.0 + hr * 0.95)
    elif scale == 'component':
        zv = jnp.var(coords[:, :, 2:3], axis=1, keepdims=True, ddof=1)
        pl = jnp.exp(-zv / 0.1)
        s = s * (1.0 + pl[:, :, 0] * 0.9)
    else:
        c = jax.lax.stop_gradient(coords)
        sq = (c ** 2).sum(-1)
        d2 = sq[:, :, None] + sq[:, None, :] - 2.0 * jnp.einsum('bnd,bmd->bnm', c, c)
        d = jnp.sqrt(jnp.maximum(d2, 0.0))
        cd = (d < 0.5).astype(coords.dtype).sum(-1)
        s = s * (1.0 + cd / N * 0.95)
    return s


def _select(features, coords, scale, W1, b1, W2, b2):
    C, S = SCALES[scale]
    B, N, D = features.shape
    ci = _fps(coords, C)
    cf = jnp.take_along_axis(features, ci[:, :, None], axis=1)
    cc = jnp.take_along_axis(coords, ci[:, :, None], axis=1)
    d2 = (cc ** 2).sum(-1)[:, :, None] + (coords ** 2).sum(-1)[:, None, :] - 2.0 * jnp.einsum('bcd,bnd->bcn', cc, coords)
    dists = jnp.sqrt(jnp.maximum(d2, 1e-12))
    _, knn_idx = jax.lax.top_k(-dists, 32)
    kf = jnp.take_along_axis(features, knn_idx.reshape(B, C * 32)[:, :, None], axis=1).reshape(B, C, 32, D)
    local_feat = kf.max(axis=2)
    ss = _safety(coords, scale)
    ss_c = jnp.take_along_axis(ss, ci, axis=1)
    h = jax.nn.relu(cf @ W1.T + b1)
    probs = jax.nn.sigmoid(h @ W2.T + b2)
    final = probs * ss_c[:, :, None]
    scores = final.mean(-1) + 0.0 * local_feat.mean(-1)
    _, top_idx = jax.lax.top_k(scores, S)
    sel = jnp.take_along_axis(cf, top_idx[:, :, None], axis=1)
    return sel


def _forward(point_features, point_coords, g_W1, g_b1, g_W2, g_b2, c_W1, c_b1, c_W2, c_b2, d_W1, d_b1, d_W2, d_b2, m_W1, m_b1, m_W2, m_b2, ln_g, ln_b, q_A, q_B, q_s, k_A, k_B, k_s, v_A, v_B, v_s):
    g = _select(point_features, point_coords, 'global', g_W1, g_b1, g_W2, g_b2)
    c = _select(point_features, point_coords, 'component', c_W1, c_b1, c_W2, c_b2)
    d = _select(point_features, point_coords, 'detail', d_W1, d_b1, d_W2, d_b2)
    tokens = jnp.concatenate([g, c, d], axis=1)
    h = jax.nn.relu(tokens @ m_W1.T + m_b1) @ m_W2.T + m_b2
    mu = h.mean(-1, keepdims=True)
    var = ((h - mu) ** 2).mean(-1, keepdims=True)
    enhanced = (h - mu) / jnp.sqrt(var + 1e-5) * ln_g + ln_b

    def lora(x, A, B_, s):
        return (x @ A.T @ B_.T) * LORA_SCALING * s

    q = lora(enhanced, q_A, q_B, q_s)
    k = lora(enhanced, k_A, k_B, k_s)
    v = lora(enhanced, v_A, v_B, v_s)
    return jnp.stack([enhanced, q, k, v], axis=0)


def setup_inputs(seed: int = 0):
    key = jax.random.key(seed)
    ks = jax.random.split(key, 16)
    B, N, D = 4, 4096, HS

    def lin(k, o, i):
        return (jax.random.normal(k, (o, i), jnp.float32) / np.sqrt(i)).astype(jnp.float32)

    inp = {
        'point_features': jax.random.normal(ks[0], (B, N, D), jnp.float32),
        'point_coords': jax.random.normal(ks[1], (B, N, 3), jnp.float32) * 3.0,
        'g_W1': lin(ks[2], 256, D), 'g_b1': jnp.zeros(256, jnp.float32), 'g_W2': lin(ks[3], 16, 256), 'g_b2': jnp.zeros(16, jnp.float32),
        'c_W1': lin(ks[4], 128, D), 'c_b1': jnp.zeros(128, jnp.float32), 'c_W2': lin(ks[5], 16, 128), 'c_b2': jnp.zeros(16, jnp.float32),
        'd_W1': lin(ks[6], 64, D), 'd_b1': jnp.zeros(64, jnp.float32), 'd_W2': lin(ks[7], 8, 64), 'd_b2': jnp.zeros(8, jnp.float32),
        'm_W1': lin(ks[8], D // 2, D), 'm_b1': jnp.zeros(D // 2, jnp.float32), 'm_W2': lin(ks[9], D, D // 2), 'm_b2': jnp.zeros(D, jnp.float32),
        'ln_g': jnp.ones(D, jnp.float32), 'ln_b': jnp.zeros(D, jnp.float32),
        'q_A': jax.random.normal(ks[10], (16, D), jnp.float32) * 0.01, 'q_B': jnp.zeros((D, 16), jnp.float32), 'q_s': jnp.ones(D, jnp.float32) * 0.1,
        'k_A': jax.random.normal(ks[11], (16, D), jnp.float32) * 0.01, 'k_B': jnp.zeros((D, 16), jnp.float32), 'k_s': jnp.ones(D, jnp.float32) * 0.1,
        'v_A': jax.random.normal(ks[12], (16, D), jnp.float32) * 0.01, 'v_B': jnp.zeros((D, 16), jnp.float32), 'v_s': jnp.ones(D, jnp.float32) * 0.1,
    }
    return inp


def reference(point_features, point_coords, g_W1, g_b1, g_W2, g_b2, c_W1, c_b1, c_W2, c_b2, d_W1, d_b1, d_W2, d_b2, m_W1, m_b1, m_W2, m_b2, ln_g, ln_b, q_A, q_B, q_s, k_A, k_B, k_s, v_A, v_B, v_s):
    return _forward(point_features, point_coords, g_W1, g_b1, g_W2, g_b2, c_W1, c_b1, c_W2, c_b2, d_W1, d_b1, d_W2, d_b2, m_W1, m_b1, m_W2, m_b2, ln_g, ln_b, q_A, q_B, q_s, k_A, k_B, k_s, v_A, v_B, v_s)

if __name__ == "__main__":
    import jax
    _d = setup_inputs()
    print(jax.jit(kernel)(*tuple(_d.values())))

</pallas_src>

<mosaic_0001>
#map = affine_map<(d0, d1) -> (0, 0)>
#map1 = affine_map<(d0, d1) -> (0)>
module attributes {stable_mosaic.version = 14 : i64} {
  func.func @gk(%arg0: i32, %arg1: i32, %arg2: memref<16384x768xf32, #tpu.memory_space<hbm>>, %arg3: memref<1024xi32, #tpu.memory_space<hbm>>, %arg4: memref<1024x768xf32, #tpu.memory_space<hbm>>, %arg5: memref<32xi32, #tpu.memory_space<vmem>>, %arg6: memref<32x768xf32, #tpu.memory_space<vmem>>, %arg7: memref<!tpu.dma_semaphore, #tpu.memory_space<semaphore_mem>>) attributes {dimension_semantics = [#tpu.dimension_semantics<core_parallel>, #tpu.dimension_semantics<subcore_parallel>], iteration_bounds = array<i64: 2, 16>, scalar_prefetch = 0 : i64, scratch_operands = 3 : i64, tpu.core_type = #tpu.core_type<sc_vector_subcore>, window_params = [{transform_indices = #map}, {transform_indices = #map1}, {transform_indices = #map}]} {
    %mul3A = arith.constant 2 : i32
    %mul3A_0 = arith.muli %arg1, %mul3A : i32
    %add3A = arith.addi %mul3A_0, %arg0 : i32
    %mul3A_1 = arith.constant 32 : i32
    %mul3A_2 = arith.muli %add3A, %mul3A_1 : i32
    "tpu.region"() ({
      %run_scoped3A = tpu.sem_alloc : memref<!tpu.dma_semaphore, #tpu.memory_space<semaphore_mem>>
      %dma_start3A_7 = tpu.memref_slice %arg3[%mul3A_2] : memref<1024xi32, #tpu.memory_space<hbm>> -> memref<32xi32, #tpu.memory_space<hbm>>
      %dma_start3A_8 = tpu.memref_slice %arg3[%mul3A_2] : memref<1024xi32, #tpu.memory_space<hbm>> -> memref<32xi32, #tpu.memory_space<hbm>>
      tpu.enqueue_dma source(%dma_start3A_8 : memref<32xi32, #tpu.memory_space<hbm>>) target(%arg5 : memref<32xi32, #tpu.memory_space<vmem>>) target_semaphore(%run_scoped3A : memref<!tpu.dma_semaphore, #tpu.memory_space<semaphore_mem>>)
      %dma_wait3A_9 = tpu.memref_slice %arg3[%mul3A_2] : memref<1024xi32, #tpu.memory_space<hbm>> -> memref<32xi32, #tpu.memory_space<hbm>>
      %dma_wait3A_10 = tpu.memref_slice %arg3[%mul3A_2] : memref<1024xi32, #tpu.memory_space<hbm>> -> memref<32xi32, #tpu.memory_space<hbm>>
      tpu.wait_dma2 semaphore(%run_scoped3A : memref<!tpu.dma_semaphore, #tpu.memory_space<semaphore_mem>>) src(%dma_wait3A_10 : memref<32xi32, #tpu.memory_space<hbm>>) dst(%arg5 : memref<32xi32, #tpu.memory_space<vmem>>)
      tpu.yield
    }) : () -> ()
    %dma_start3A = arith.constant 0 : i32
    %dma_start3A_3 = arith.constant 0 : i32
    %dma_start3A_4 = tpu.memref_slice %arg2[%dma_start3A, %dma_start3A_3] : memref<16384x768xf32, #tpu.memory_space<hbm>> -> memref<16384x768xf32, #tpu.memory_space<hbm>>
    tpu.enqueue_indirect_dma source(%dma_start3A_4 : memref<16384x768xf32, #tpu.memory_space<hbm>>) target(%arg6 : memref<32x768xf32, #tpu.memory_space<vmem>>) offsets(%arg5 : memref<32xi32, #tpu.memory_space<vmem>>) semaphore(%arg7 : memref<!tpu.dma_semaphore, #tpu.memory_space<semaphore_mem>>)
    %dma_wait3A = arith.constant 0 : i32
    %dma_wait3A_5 = arith.constant 0 : i32
    %dma_wait3A_6 = tpu.memref_slice %arg2[%dma_wait3A, %dma_wait3A_5] : memref<16384x768xf32, #tpu.memory_space<hbm>> -> memref<16384x768xf32, #tpu.memory_space<hbm>>
    tpu.wait_indirect_dma semaphore(%arg7 : memref<!tpu.dma_semaphore, #tpu.memory_space<semaphore_mem>>) src(%dma_wait3A_6 : memref<16384x768xf32, #tpu.memory_space<hbm>>) dst(%arg6 : memref<32x768xf32, #tpu.memory_space<vmem>>)
    "tpu.region"() ({
      %run_scoped3A = tpu.sem_alloc : memref<!tpu.dma_semaphore, #tpu.memory_space<semaphore_mem>>
      %dma_start3A_7 = arith.constant 0 : i32
      %dma_start3A_8 = tpu.memref_slice %arg4[%mul3A_2, %dma_start3A_7] : memref<1024x768xf32, #tpu.memory_space<hbm>> -> memref<32x768xf32, #tpu.memory_space<hbm>>
      %dma_start3A_9 = arith.constant 0 : i32
      %dma_start3A_10 = tpu.memref_slice %arg4[%mul3A_2, %dma_start3A_9] : memref<1024x768xf32, #tpu.memory_space<hbm>> -> memref<32x768xf32, #tpu.memory_space<hbm>>
      tpu.enqueue_dma source(%arg6 : memref<32x768xf32, #tpu.memory_space<vmem>>) target(%dma_start3A_10 : memref<32x768xf32, #tpu.memory_space<hbm>>) target_semaphore(%run_scoped3A : memref<!tpu.dma_semaphore, #tpu.memory_space<semaphore_mem>>)
      %dma_wait3A_11 = arith.constant 0 : i32
      %dma_wait3A_12 = tpu.memref_slice %arg4[%mul3A_2, %dma_wait3A_11] : memref<1024x768xf32, #tpu.memory_space<hbm>> -> memref<32x768xf32, #tpu.memory_space<hbm>>
      %dma_wait3A_13 = arith.constant 0 : i32
      %dma_wait3A_14 = tpu.memref_slice %arg4[%mul3A_2, %dma_wait3A_13] : memref<1024x768xf32, #tpu.memory_space<hbm>> -> memref<32x768xf32, #tpu.memory_space<hbm>>
      tpu.wait_dma2 semaphore(%run_scoped3A : memref<!tpu.dma_semaphore, #tpu.memory_space<semaphore_mem>>) src(%arg6 : memref<32x768xf32, #tpu.memory_space<vmem>>) dst(%dma_wait3A_14 : memref<32x768xf32, #tpu.memory_space<hbm>>)
      tpu.yield
    }) : () -> ()
    return
  }
}

module attributes {stable_mosaic.version = 14 : i64} {
  func.func @_fps_safety_body(%arg0: memref<4x32x128xf32, #tpu.memory_space<vmem>>, %arg1: memref<4x32x128xf32, #tpu.memory_space<vmem>>, %arg2: memref<4x32x128xf32, #tpu.memory_space<vmem>>, %arg3: memref<4x256xi32, #tpu.memory_space<vmem>>, %arg4: memref<4x256xf32, #tpu.memory_space<vmem>>, %arg5: memref<4x64xf32, #tpu.memory_space<vmem>>, %arg6: memref<4x128xf32, #tpu.memory_space<vmem>>, %arg7: memref<4x32x128xi32, #tpu.memory_space<vmem>>) attributes {dimension_semantics = [], scalar_prefetch = 0 : i64, scratch_operands = 1 : i64, tpu.core_type = #tpu.core_type<tc>} {
    %iota3A = tpu.iota {dimensions = array<i32: 1>} : vector<4x32x128xi32>
    %iota3A_0 = tpu.iota {dimensions = array<i32: 2>} : vector<4x32x128xi32>
    %mul3A = arith.constant 128 : i32
    %mul3A_1 = vector.broadcast %mul3A : i32 to vector<4x32x128xi32>
    %mul3A_2 = arith.muli %iota3A, %mul3A_1 : vector<4x32x128xi32>
    %add3A = arith.addi %mul3A_2, %iota3A_0 : vector<4x32x128xi32>
    %swap3A = arith.constant 0 : index
    %swap3A_3 = arith.constant 0 : index
    %swap3A_4 = arith.constant 0 : index
    %swap3A_5 = vector.load %arg7[%swap3A, %swap3A_3, %swap3A_4] : memref<4x32x128xi32, #tpu.memory_space<vmem>>, vector<4x32x128xi32>
    tpu.vector_store %arg7[%swap3A, %swap3A_3, %swap3A_4], %add3A {strides = array<i32>} : memref<4x32x128xi32, #tpu.memory_space<vmem>>, vector<4x32x128xi32>,
    %iota3A_6 = tpu.iota {dimensions = array<i32: 1>} : vector<4x256xi32>
    %broadcast_in_dim3A = arith.constant 0x7F800000 : f32
    %broadcast_in_dim3A_7 = vector.broadcast %broadcast_in_dim3A : f32 to vector<4x32x128xf32>
    %broadcast_in_dim3A_8 = arith.constant 0 : i32
    %broadcast_in_dim3A_9 = vector.broadcast %broadcast_in_dim3A_8 : i32 to vector<4x256xi32>
    %broadcast_in_dim3A_10 = arith.constant 0.000000e+00 : f32
    %broadcast_in_dim3A_11 = vector.broadcast %broadcast_in_dim3A_10 : f32 to vector<4x256xf32>
    %broadcast_in_dim3A_12 = arith.constant 0 : i32
    %broadcast_in_dim3A_13 = vector.broadcast %broadcast_in_dim3A_12 : i32 to vector<4x1x1xi32>
    %scan3A = arith.constant 1 : i32
    %scan3A_14 = arith.constant 252 : i32
    %scan3A_15 = arith.addi %scan3A, %scan3A_14 : i32
    %scan3A_16 = arith.constant 4 : i32
    %scan3A_17:6 = scf.for %scan3A_429 = %scan3A to %scan3A_15 step %scan3A_16 iter_args(%scan3A_430 = %broadcast_in_dim3A_7, %scan3A_431 = %broadcast_in_dim3A_9, %scan3A_432 = %broadcast_in_dim3A_11, %scan3A_433 = %broadcast_in_dim3A_11, %scan3A_434 = %broadcast_in_dim3A_11, %scan3A_435 = %broadcast_in_dim3A_13) -> (vector<4x32x128xf32>, vector<4x256xi32>, vector<4x256xf32>, vector<4x256xf32>, vector<4x256xf32>, vector<4x1x1xi32>)  : i32 {
      %get3A_436 = arith.constant 0 : index
      %get3A_437 = arith.constant 0 : index
      %get3A_438 = arith.constant 0 : index
      %get3A_439 = vector.load %arg0[%get3A_436, %get3A_437, %get3A_438] : memref<4x32x128xf32, #tpu.memory_space<vmem>>, vector<4x32x128xf32>
      %get3A_440 = arith.constant 0 : index
      %get3A_441 = arith.constant 0 : index
      %get3A_442 = arith.constant 0 : index
      %get3A_443 = vector.load %arg1[%get3A_440, %get3A_441, %get3A_442] : memref<4x32x128xf32, #tpu.memory_space<vmem>>, vector<4x32x128xf32>
      %get3A_444 = arith.constant 0 : index
      %get3A_445 = arith.constant 0 : index
      %get3A_446 = arith.constant 0 : index
      %get3A_447 = vector.load %arg2[%get3A_444, %get3A_445, %get3A_446] : memref<4x32x128xf32, #tpu.memory_space<vmem>>, vector<4x32x128xf32>
      %get3A_448 = arith.constant 0 : index
      %get3A_449 = arith.constant 0 : index
      %get3A_450 = arith.constant 0 : index
      %get3A_451 = vector.load %arg7[%get3A_448, %get3A_449, %get3A_450] : memref<4x32x128xi32, #tpu.memory_space<vmem>>, vector<4x32x128xi32>
      %eq3A_452 = vector.broadcast %scan3A_435 : vector<4x1x1xi32> to vector<4x32x128xi32>
      %eq3A_453 = arith.cmpi eq, %get3A_451, %eq3A_452 : vector<4x32x128xi32>
      %jit3A_454 = arith.constant 0.000000e+00 : f32
      %broadcast_in_dim3A_455 = vector.broadcast %jit3A_454 : f32 to vector<4x32x128xf32>
      %select_n3A_456 = arith.select %eq3A_453, %broadcast_in_dim3A_455, %scan3A_430 : vector<4x32x128xi1>, vector<4x32x128xf32>
      %jit3A_457 = arith.constant 0.000000e+00 : f32
      %broadcast_in_dim3A_458 = vector.broadcast %jit3A_457 : f32 to vector<4x32x128xf32>
      %select_n3A_459 = arith.select %eq3A_453, %get3A_439, %broadcast_in_dim3A_458 : vector<4x32x128xi1>, vector<4x32x128xf32>
      %reduce_sum3A_460 = arith.constant dense<0.000000e+00> : vector<4xf32>
      %reduce_sum3A_461 = vector.multi_reduction <add>, %select_n3A_459, %reduce_sum3A_460 [1, 2] : vector<4x32x128xf32> to vector<4xf32>
      %broadcast_in_dim3A_462 = vector.shape_cast %reduce_sum3A_461 : vector<4xf32> to vector<4x1x1xf32>
      %jit3A_463 = arith.constant 0.000000e+00 : f32
      %broadcast_in_dim3A_464 = vector.broadcast %jit3A_463 : f32 to vector<4x32x128xf32>
      %select_n3A_465 = arith.select %eq3A_453, %get3A_443, %broadcast_in_dim3A_464 : vector<4x32x128xi1>, vector<4x32x128xf32>
      %reduce_sum3A_466 = arith.constant dense<0.000000e+00> : vector<4xf32>
      %reduce_sum3A_467 = vector.multi_reduction <add>, %select_n3A_465, %reduce_sum3A_466 [1, 2] : vector<4x32x128xf32> to vector<4xf32>
      %broadcast_in_dim3A_468 = vector.shape_cast %reduce_sum3A_467 : vector<4xf32> to vector<4x1x1xf32>
      %jit3A_469 = arith.constant 0.000000e+00 : f32
      %broadcast_in_dim3A_470 = vector.broadcast %jit3A_469 : f32 to vector<4x32x128xf32>
      %select_n3A_471 = arith.select %eq3A_453, %get3A_447, %broadcast_in_dim3A_470 : vector<4x32x128xi1>, vector<4x32x128xf32>
      %reduce_sum3A_472 = arith.constant dense<0.000000e+00> : vector<4xf32>
      %reduce_sum3A_473 = vector.multi_reduction <add>, %select_n3A_471, %reduce_sum3A_472 [1, 2] : vector<4x32x128xf32> to vector<4xf32>
      %broadcast_in_dim3A_474 = vector.shape_cast %reduce_sum3A_473 : vector<4xf32> to vector<4x1x1xf32>
      %sub3A_475 = arith.constant 1 : i32
      %sub3A_476 = arith.subi %scan3A_429, %sub3A_475 : i32
      %eq3A_477 = vector.broadcast %sub3A_476 : i32 to vector<4x256xi32>
      %eq3A_478 = arith.cmpi eq, %iota3A_6, %eq3A_477 : vector<4x256xi32>
      %squeeze3A_479 = vector.shape_cast %broadcast_in_dim3A_462 : vector<4x1x1xf32> to vector<4x1xf32>
      %broadcast_in_dim3A_480 = vector.shape_cast %squeeze3A_479 : vector<4x1xf32> to vector<4x1xf32>
      %broadcast_in_dim3A_481 = vector.broadcast %broadcast_in_dim3A_480 : vector<4x1xf32> to vector<4x256xf32>
      %select_n3A_482 = arith.select %eq3A_478, %broadcast_in_dim3A_481, %scan3A_432 : vector<4x256xi1>, vector<4x256xf32>
      %sub3A_483 = arith.constant 1 : i32
      %sub3A_484 = arith.subi %scan3A_429, %sub3A_483 : i32
      %eq3A_485 = vector.broadcast %sub3A_484 : i32 to vector<4x256xi32>
      %eq3A_486 = arith.cmpi eq, %iota3A_6, %eq3A_485 : vector<4x256xi32>
      %squeeze3A_487 = vector.shape_cast %broadcast_in_dim3A_468 : vector<4x1x1xf32> to vector<4x1xf32>
      %broadcast_in_dim3A_488 = vector.shape_cast %squeeze3A_487 : vector<4x1xf32> to vector<4x1xf32>
      %broadcast_in_dim3A_489 = vector.broadcast %broadcast_in_dim3A_488 : vector<4x1xf32> to vector<4x256xf32>
      %select_n3A_490 = arith.select %eq3A_486, %broadcast_in_dim3A_489, %scan3A_433 : vector<4x256xi1>, vector<4x256xf32>
      %sub3A_491 = arith.constant 1 : i32
      %sub3A_492 = arith.subi %scan3A_429, %sub3A_491 : i32
      %eq3A_493 = vector.broadcast %sub3A_492 : i32 to vector<4x256xi32>
      %eq3A_494 = arith.cmpi eq, %iota3A_6, %eq3A_493 : vector<4x256xi32>
      %squeeze3A_495 = vector.shape_cast %broadcast_in_dim3A_474 : vector<4x1x1xf32> to vector<4x1xf32>
      %broadcast_in_dim3A_496 = vector.shape_cast %squeeze3A_495 : vector<4x1xf32> to vector<4x1xf32>
      %broadcast_in_dim3A_497 = vector.broadcast %broadcast_in_dim3A_496 : vector<4x1xf32> to vector<4x256xf32>
      %select_n3A_498 = arith.select %eq3A_494, %broadcast_in_dim3A_497, %scan3A_434 : vector<4x256xi1>, vector<4x256xf32>
      %sub3A_499 = vector.broadcast %broadcast_in_dim3A_462 : vector<4x1x1xf32> to vector<4x32x128xf32>
      %sub3A_500 = arith.subf %get3A_439, %sub3A_499 : vector<4x32x128xf32>
      %sub3A_501 = vector.broadcast %broadcast_in_dim3A_468 : vector<4x1x1xf32> to vector<4x32x128xf32>
      %sub3A_502 = arith.subf %get3A_443, %sub3A_501 : vector<4x32x128xf32>
      %sub3A_503 = vector.broadcast %broadcast_in_dim3A_474 : vector<4x1x1xf32> to vector<4x32x128xf32>
      %sub3A_504 = arith.subf %get3A_447, %sub3A_503 : vector<4x32x128xf32>
      %mul3A_505 = arith.mulf %sub3A_500, %sub3A_500 : vector<4x32x128xf32>
      %mul3A_506 = arith.mulf %sub3A_502, %sub3A_502 : vector<4x32x128xf32>
      %add3A_507 = arith.addf %mul3A_505, %mul3A_506 : vector<4x32x128xf32>
      %mul3A_508 = arith.mulf %sub3A_504, %sub3A_504 : vector<4x32x128xf32>
      %add3A_509 = arith.addf %add3A_507, %mul3A_508 : vector<4x32x128xf32>
      %sqrt3A_510 = math.sqrt %add3A_509 : vector<4x32x128xf32>
      %min3A_511 = arith.minimumf %select_n3A_456, %sqrt3A_510 : vector<4x32x128xf32>
      %reduce_max3A_512 = arith.constant dense<0xFF800000> : vector<4xf32>
      %reduce_max3A_513 = vector.multi_reduction <maximumf>, %min3A_511, %reduce_max3A_512 [1, 2] : vector<4x32x128xf32> to vector<4xf32>
      %broadcast_in_dim3A_514 = vector.shape_cast %reduce_max3A_513 : vector<4xf32> to vector<4x1x1xf32>
      %eq3A_515 = vector.broadcast %broadcast_in_dim3A_514 : vector<4x1x1xf32> to vector<4x32x128xf32>
      %eq3A_516 = arith.cmpf oeq, %min3A_511, %eq3A_515 : vector<4x32x128xf32>
      %jit3A_517 = arith.constant 4096 : i32
      %broadcast_in_dim3A_518 = vector.broadcast %jit3A_517 : i32 to vector<4x32x128xi32>
      %select_n3A_519 = arith.select %eq3A_516, %get3A_451, %broadcast_in_dim3A_518 : vector<4x32x128xi1>, vector<4x32x128xi32>
      %reduce_min3A_520 = arith.constant dense<2147483647> : vector<4xi32>
      %reduce_min3A_521 = vector.multi_reduction <minsi>, %select_n3A_519, %reduce_min3A_520 [1, 2] : vector<4x32x128xi32> to vector<4xi32>
      %broadcast_in_dim3A_522 = vector.shape_cast %reduce_min3A_521 : vector<4xi32> to vector<4x1x1xi32>
      %eq3A_523 = vector.broadcast %scan3A_429 : i32 to vector<4x256xi32>
      %eq3A_524 = arith.cmpi eq, %iota3A_6, %eq3A_523 : vector<4x256xi32>
      %squeeze3A_525 = vector.shape_cast %broadcast_in_dim3A_522 : vector<4x1x1xi32> to vector<4x1xi32>
      %broadcast_in_dim3A_526 = vector.shape_cast %squeeze3A_525 : vector<4x1xi32> to vector<4x1xi32>
      %broadcast_in_dim3A_527 = vector.broadcast %broadcast_in_dim3A_526 : vector<4x1xi32> to vector<4x256xi32>
      %select_n3A_528 = arith.select %eq3A_524, %broadcast_in_dim3A_527, %scan3A_431 : vector<4x256xi1>, vector<4x256xi32>
      %scan3A_529 = arith.constant 1 : i32
      %scan3A_530 = arith.addi %scan3A_429, %scan3A_529 : i32
      %get3A_531 = arith.constant 0 : index
      %get3A_532 = arith.constant 0 : index
      %get3A_533 = arith.constant 0 : index
      %get3A_534 = vector.load %arg0[%get3A_531, %get3A_532, %get3A_533] : memref<4x32x128xf32, #tpu.memory_space<vmem>>, vector<4x32x128xf32>
      %get3A_535 = arith.constant 0 : index
      %get3A_536 = arith.constant 0 : index
      %get3A_537 = arith.constant 0 : index
      %get3A_538 = vector.load %arg1[%get3A_535, %get3A_536, %get3A_537] : memref<4x32x128xf32, #tpu.memory_space<vmem>>, vector<4x32x128xf32>
      %get3A_539 = arith.constant 0 : index
      %get3A_540 = arith.constant 0 : index
      %get3A_541 = arith.constant 0 : index
      %get3A_542 = vector.load %arg2[%get3A_539, %get3A_540, %get3A_541] : memref<4x32x128xf32, #tpu.memory_space<vmem>>, vector<4x32x128xf32>
      %get3A_543 = arith.constant 0 : index
      %get3A_544 = arith.constant 0 : index
      %get3A_545 = arith.constant 0 : index
      %get3A_546 = vector.load %arg7[%get3A_543, %get3A_544, %get3A_545] : memref<4x32x128xi32, #tpu.memory_space<vmem>>, vector<4x32x128xi32>
      %eq3A_547 = vector.broadcast %broadcast_in_dim3A_522 : vector<4x1x1xi32> to vector<4x32x128xi32>
      %eq3A_548 = arith.cmpi eq, %get3A_546, %eq3A_547 : vector<4x32x128xi32>
      %jit3A_549 = arith.constant 0.000000e+00 : f32
      %broadcast_in_dim3A_550 = vector.broadcast %jit3A_549 : f32 to vector<4x32x128xf32>
      %select_n3A_551 = arith.select %eq3A_548, %broadcast_in_dim3A_550, %min3A_511 : vector<4x32x128xi1>, vector<4x32x128xf32>
      %jit3A_552 = arith.constant 0.000000e+00 : f32
      %broadcast_in_dim3A_553 = vector.broadcast %jit3A_552 : f32 to vector<4x32x128xf32>
      %select_n3A_554 = arith.select %eq3A_548, %get3A_534, %broadcast_in_dim3A_553 : vector<4x32x128xi1>, vector<4x32x128xf32>
      %reduce_sum3A_555 = arith.constant dense<0.000000e+00> : vector<4xf32>
      %reduce_sum3A_556 = vector.multi_reduction <add>, %select_n3A_554, %reduce_sum3A_555 [1, 2] : vector<4x32x128xf32> to vector<4xf32>
      %broadcast_in_dim3A_557 = vector.shape_cast %reduce_sum3A_556 : vector<4xf32> to vector<4x1x1xf32>
      %jit3A_558 = arith.constant 0.000000e+00 : f32
      %broadcast_in_dim3A_559 = vector.broadcast %jit3A_558 : f32 to vector<4x32x128xf32>
      %select_n3A_560 = arith.select %eq3A_548, %get3A_538, %broadcast_in_dim3A_559 : vector<4x32x128xi1>, vector<4x32x128xf32>
      %reduce_sum3A_561 = arith.constant dense<0.000000e+00> : vector<4xf32>
      %reduce_sum3A_562 = vector.multi_reduction <add>, %select_n3A_560, %reduce_sum3A_561 [1, 2] : vector<4x32x128xf32> to vector<4xf32>
      %broadcast_in_dim3A_563 = vector.shape_cast %reduce_sum3A_562 : vector<4xf32> to vector<4x1x1xf32>
      %jit3A_564 = arith.constant 0.000000e+00 : f32
      %broadcast_in_dim3A_565 = vector.broadcast %jit3A_564 : f32 to vector<4x32x128xf32>
      %select_n3A_566 = arith.select %eq3A_548, %get3A_542, %broadcast_in_dim3A_565 : vector<4x32x128xi1>, vector<4x32x128xf32>
      %reduce_sum3A_567 = arith.constant dense<0.000000e+00> : vector<4xf32>
      %reduce_sum3A_568 = vector.multi_reduction <add>, %select_n3A_566, %reduce_sum3A_567 [1, 2] : vector<4x32x128xf32> to vector<4xf32>
      %broadcast_in_dim3A_569 = vector.shape_cast %reduce_sum3A_568 : vector<4xf32> to vector<4x1x1xf32>
      %sub3A_570 = arith.constant 1 : i32
      %sub3A_571 = arith.subi %scan3A_530, %sub3A_570 : i32
      %eq3A_572 = vector.broadcast %sub3A_571 : i32 to vector<4x256xi32>
      %eq3A_573 = arith.cmpi eq, %iota3A_6, %eq3A_572 : vector<4x256xi32>
      %squeeze3A_574 = vector.shape_cast %broadcast_in_dim3A_557 : vector<4x1x1xf32> to vector<4x1xf32>
      %broadcast_in_dim3A_575 = vector.shape_cast %squeeze3A_574 : vector<4x1xf32> to vector<4x1xf32>
      %broadcast_in_dim3A_576 = vector.broadcast %broadcast_in_dim3A_575 : vector<4x1xf32> to vector<4x256xf32>
      %select_n3A_577 = arith.select %eq3A_573, %broadcast_in_dim3A_576, %select_n3A_482 : vector<4x256xi1>, vector<4x256xf32>
      %sub3A_578 = arith.constant 1 : i32
      %sub3A_579 = arith.subi %scan3A_530, %sub3A_578 : i32
      %eq3A_580 = vector.broadcast %sub3A_579 : i32 to vector<4x256xi32>
      %eq3A_581 = arith.cmpi eq, %iota3A_6, %eq3A_580 : vector<4x256xi32>
      %squeeze3A_582 = vector.shape_cast %broadcast_in_dim3A_563 : vector<4x1x1xf32> to vector<4x1xf32>
      %broadcast_in_dim3A_583 = vector.shape_cast %squeeze3A_582 : vector<4x1xf32> to vector<4x1xf32>
      %broadcast_in_dim3A_584 = vector.broadcast %broadcast_in_dim3A_583 : vector<4x1xf32> to vector<4x256xf32>
      %select_n3A_585 = arith.select %eq3A_581, %broadcast_in_dim3A_584, %select_n3A_490 : vector<4x256xi1>, vector<4x256xf32>
      %sub3A_586 = arith.constant 1 : i32
      %sub3A_587 = arith.subi %scan3A_530, %sub3A_586 : i32
      %eq3A_588 = vector.broadcast %sub3A_587 : i32 to vector<4x256xi32>
      %eq3A_589 = arith.cmpi eq, %iota3A_6, %eq3A_588 : vector<4x256xi32>
      %squeeze3A_590 = vector.shape_cast %broadcast_in_dim3A_569 : vector<4x1x1xf32> to vector<4x1xf32>
      %broadcast_in_dim3A_591 = vector.shape_cast %squeeze3A_590 : vector<4x1xf32> to vector<4x1xf32>
      %broadcast_in_dim3A_592 = vector.broadcast %broadcast_in_dim3A_591 : vector<4x1xf32> to vector<4x256xf32>
      %select_n3A_593 = arith.select %eq3A_589, %broadcast_in_dim3A_592, %select_n3A_498 : vector<4x256xi1>, vector<4x256xf32>
      %sub3A_594 = vector.broadcast %broadcast_in_dim3A_557 : vector<4x1x1xf32> to vector<4x32x128xf32>
      %sub3A_595 = arith.subf %get3A_534, %sub3A_594 : vector<4x32x128xf32>
      %sub3A_596 = vector.broadcast %broadcast_in_dim3A_563 : vector<4x1x1xf32> to vector<4x32x128xf32>
      %sub3A_597 = arith.subf %get3A_538, %sub3A_596 : vector<4x32x128xf32>
      %sub3A_598 = vector.broadcast %broadcast_in_dim3A_569 : vector<4x1x1xf32> to vector<4x32x128xf32>
      %sub3A_599 = arith.subf %get3A_542, %sub3A_598 : vector<4x32x128xf32>
      %mul3A_600 = arith.mulf %sub3A_595, %sub3A_595 : vector<4x32x128xf32>
      %mul3A_601 = arith.mulf %sub3A_597, %sub3A_597 : vector<4x32x128xf32>
      %add3A_602 = arith.addf %mul3A_600, %mul3A_601 : vector<4x32x128xf32>
      %mul3A_603 = arith.mulf %sub3A_599, %sub3A_599 : vector<4x32x128xf32>
      %add3A_604 = arith.addf %add3A_602, %mul3A_603 : vector<4x32x128xf32>
      %sqrt3A_605 = math.sqrt %add3A_604 : vector<4x32x128xf32>
      %min3A_606 = arith.minimumf %select_n3A_551, %sqrt3A_605 : vector<4x32x128xf32>
      %reduce_max3A_607 = arith.constant dense<0xFF800000> : vector<4xf32>
      %reduce_max3A_608 = vector.multi_reduction <maximumf>, %min3A_606, %reduce_max3A_607 [1, 2] : vector<4x32x128xf32> to vector<4xf32>
      %broadcast_in_dim3A_609 = vector.shape_cast %reduce_max3A_608 : vector<4xf32> to vector<4x1x1xf32>
      %eq3A_610 = vector.broadcast %broadcast_in_dim3A_609 : vector<4x1x1xf32> to vector<4x32x128xf32>
      %eq3A_611 = arith.cmpf oeq, %min3A_606, %eq3A_610 : vector<4x32x128xf32>
      %jit3A_612 = arith.constant 4096 : i32
      %broadcast_in_dim3A_613 = vector.broadcast %jit3A_612 : i32 to vector<4x32x128xi32>
      %select_n3A_614 = arith.select %eq3A_611, %get3A_546, %broadcast_in_dim3A_613 : vector<4x32x128xi1>, vector<4x32x128xi32>
      %reduce_min3A_615 = arith.constant dense<2147483647> : vector<4xi32>
      %reduce_min3A_616 = vector.multi_reduction <minsi>, %select_n3A_614, %reduce_min3A_615 [1, 2] : vector<4x32x128xi32> to vector<4xi32>
      %broadcast_in_dim3A_617 = vector.shape_cast %reduce_min3A_616 : vector<4xi32> to vector<4x1x1xi32>
      %eq3A_618 = vector.broadcast %scan3A_530 : i32 to vector<4x256xi32>
      %eq3A_619 = arith.cmpi eq, %iota3A_6, %eq3A_618 : vector<4x256xi32>
      %squeeze3A_620 = vector.shape_cast %broadcast_in_dim3A_617 : vector<4x1x1xi32> to vector<4x1xi32>
      %broadcast_in_dim3A_621 = vector.shape_cast %squeeze3A_620 : vector<4x1xi32> to vector<4x1xi32>
      %broadcast_in_dim3A_622 = vector.broadcast %broadcast_in_dim3A_621 : vector<4x1xi32> to vector<4x256xi32>
      %select_n3A_623 = arith.select %eq3A_619, %broadcast_in_dim3A_622, %select_n3A_528 : vector<4x256xi1>, vector<4x256xi32>
      %scan3A_624 = arith.constant 2 : i32
      %scan3A_625 = arith.addi %scan3A_429, %scan3A_624 : i32
      %get3A_626 = arith.constant 0 : index
      %get3A_627 = arith.constant 0 : index
      %get3A_628 = arith.constant 0 : index
      %get3A_629 = vector.load %arg0[%get3A_626, %get3A_627, %get3A_628] : memref<4x32x128xf32, #tpu.memory_space<vmem>>, vector<4x32x128xf32>
      %get3A_630 = arith.constant 0 : index
      %get3A_631 = arith.constant 0 : index
      %get3A_632 = arith.constant 0 : index
      %get3A_633 = vector.load %arg1[%get3A_630, %get3A_631, %get3A_632] : memref<4x32x128xf32, #tpu.memory_space<vmem>>, vector<4x32x128xf32>
      %get3A_634 = arith.constant 0 : index
      %get3A_635 = arith.constant 0 : index
      %get3A_636 = arith.constant 0 : index
      %get3A_637 = vector.load %arg2[%get3A_634, %get3A_635, %get3A_636] : memref<4x32x128xf32, #tpu.memory_space<vmem>>, vector<4x32x128xf32>
      %get3A_638 = arith.constant 0 : index
      %get3A_639 = arith.constant 0 : index
      %get3A_640 = arith.constant 0 : index
      %get3A_641 = vector.load %arg7[%get3A_638, %get3A_639, %get3A_640] : memref<4x32x128xi32, #tpu.memory_space<vmem>>, vector<4x32x128xi32>
      %eq3A_642 = vector.broadcast %broadcast_in_dim3A_617 : vector<4x1x1xi32> to vector<4x32x128xi32>
      %eq3A_643 = arith.cmpi eq, %get3A_641, %eq3A_642 : vector<4x32x128xi32>
      %jit3A_644 = arith.constant 0.000000e+00 : f32
      %broadcast_in_dim3A_645 = vector.broadcast %jit3A_644 : f32 to vector<4x32x128xf32>
      %select_n3A_646 = arith.select %eq3A_643, %broadcast_in_dim3A_645, %min3A_606 : vector<4x32x128xi1>, vector<4x32x128xf32>
      %jit3A_647 = arith.constant 0.000000e+00 : f32
      %broadcast_in_dim3A_648 = vector.broadcast %jit3A_647 : f32 to vector<4x32x128xf32>
      %select_n3A_649 = arith.select %eq3A_643, %get3A_629, %broadcast_in_dim3A_648 : vector<4x32x128xi1>, vector<4x32x128xf32>
      %reduce_sum3A_650 = arith.constant dense<0.000000e+00> : vector<4xf32>
      %reduce_sum3A_651 = vector.multi_reduction <add>, %select_n3A_649, %reduce_sum3A_650 [1, 2] : vector<4x32x128xf32> to vector<4xf32>
      %broadcast_in_dim3A_652 = vector.shape_cast %reduce_sum3A_651 : vector<4xf32> to vector<4x1x1xf32>
      %jit3A_653 = arith.constant 0.000000e+00 : f32
      %broadcast_in_dim3A_654 = vector.broadcast %jit3A_653 : f32 to vector<4x32x128xf32>
      %select_n3A_655 = arith.select %eq3A_643, %get3A_633, %broadcast_in_dim3A_654 : vector<4x32x128xi1>, vector<4x32x128xf32>
      %reduce_sum3A_656 = arith.constant dense<0.000000e+00> : vector<4xf32>
      %reduce_sum3A_657 = vector.multi_reduction <add>, %select_n3A_655, %reduce_sum3A_656 [1, 2] : vector<4x32x128xf32> to vector<4xf32>
      %broadcast_in_dim3A_658 = vector.shape_cast %reduce_sum3A_657 : vector<4xf32> to vector<4x1x1xf32>
      %jit3A_659 = arith.constant 0.000000e+00 : f32
      %broadcast_in_dim3A_660 = vector.broadcast %jit3A_659 : f32 to vector<4x32x128xf32>
      %select_n3A_661 = arith.select %eq3A_643, %get3A_637, %broadcast_in_dim3A_660 : vector<4x32x128xi1>, vector<4x32x128xf32>
      %reduce_sum3A_662 = arith.constant dense<0.000000e+00> : vector<4xf32>
      %reduce_sum3A_663 = vector.multi_reduction <add>, %select_n3A_661, %reduce_sum3A_662 [1, 2] : vector<4x32x128xf32> to vector<4xf32>
      %broadcast_in_dim3A_664 = vector.shape_cast %reduce_sum3A_663 : vector<4xf32> to vector<4x1x1xf32>
      %sub3A_665 = arith.constant 1 : i32
      %sub3A_666 = arith.subi %scan3A_625, %sub3A_665 : i32
      %eq3A_667 = vector.broadcast %sub3A_666 : i32 to vector<4x256xi32>
      %eq3A_668 = arith.cmpi eq, %iota3A_6, %eq3A_667 : vector<4x256xi32>
      %squeeze3A_669 = vector.shape_cast %broadcast_in_dim3A_652 : vector<4x1x1xf32> to vector<4x1xf32>
      %broadcast_in_dim3A_670 = vector.shape_cast %squeeze3A_669 : vector<4x1xf32> to vector<4x1xf32>
      %broadcast_in_dim3A_671 = vector.broadcast %broadcast_in_dim3A_670 : vector<4x1xf32> to vector<4x256xf32>
      %select_n3A_672 = arith.select %eq3A_668, %broadcast_in_dim3A_671, %select_n3A_577 : vector<4x256xi1>, vector<4x256xf32>
      %sub3A_673 = arith.constant 1 : i32
      %sub3A_674 = arith.subi %scan3A_625, %sub3A_673 : i32
      %eq3A_675 = vector.broadcast %sub3A_674 : i32 to vector<4x256xi32>
      %eq3A_676 = arith.cmpi eq, %iota3A_6, %eq3A_675 : vector<4x256xi32>
      %squeeze3A_677 = vector.shape_cast %broadcast_in_dim3A_658 : vector<4x1x1xf32> to vector<4x1xf32>
      %broadcast_in_dim3A_678 = vector.shape_cast %squeeze3A_677 : vector<4x1xf32> to vector<4x1xf32>
      %broadcast_in_dim3A_679 = vector.broadcast %broadcast_in_dim3A_678 : vector<4x1xf32> to vector<4x256xf32>
      %select_n3A_680 = arith.select %eq3A_676, %broadcast_in_dim3A_679, %select_n3A_585 : vector<4x256xi1>, vector<4x256xf32>
      %sub3A_681 = arith.constant 1 : i32
      %sub3A_682 = arith.subi %scan3A_625, %sub3A_681 : i32
      %eq3A_683 = vector.broadcast %sub3A_682 : i32 to vector<4x256xi32>
      %eq3A_684 = arith.cmpi eq, %iota3A_6, %eq3A_683 : vector<4x256xi32>
      %squeeze3A_685 = vector.shape_cast %broadcast_in_dim3A_664 : vector<4x1x1xf32> to vector<4x1xf32>
      %broadcast_in_dim3A_686 = vector.shape_cast %squeeze3A_685 : vector<4x1xf32> to vector<4x1xf32>
      %broadcast_in_dim3A_687 = vector.broadcast %broadcast_in_dim3A_686 : vector<4x1xf32> to vector<4x256xf32>
      %select_n3A_688 = arith.select %eq3A_684, %broadcast_in_dim3A_687, %select_n3A_593 : vector<4x256xi1>, vector<4x256xf32>
      %sub3A_689 = vector.broadcast %broadcast_in_dim3A_652 : vector<4x1x1xf32> to vector<4x32x128xf32>
      %sub3A_690 = arith.subf %get3A_629, %sub3A_689 : vector<4x32x128xf32>
      %sub3A_691 = vector.broadcast %broadcast_in_dim3A_658 : vector<4x1x1xf32> to vector<4x32x128xf32>
      %sub3A_692 = arith.subf %get3A_633, %sub3A_691 : vector<4x32x128xf32>
      %sub3A_693 = vector.broadcast %broadcast_in_dim3A_664 : vector<4x1x1xf32> to vector<4x32x128xf32>
      %sub3A_694 = arith.subf %get3A_637, %sub3A_693 : vector<4x32x128xf32>
      %mul3A_695 = arith.mulf %sub3A_690, %sub3A_690 : vector<4x32x128xf32>
      %mul3A_696 = arith.mulf %sub3A_692, %sub3A_692 : vector<4x32x128xf32>
      %add3A_697 = arith.addf %mul3A_695, %mul3A_696 : vector<4x32x128xf32>
      %mul3A_698 = arith.mulf %sub3A_694, %sub3A_694 : vector<4x32x128xf32>
      %add3A_699 = arith.addf %add3A_697, %mul3A_698 : vector<4x32x128xf32>
      %sqrt3A_700 = math.sqrt %add3A_699 : vector<4x32x128xf32>
      %min3A_701 = arith.minimumf %select_n3A_646, %sqrt3A_700 : vector<4x32x128xf32>
      %reduce_max3A_702 = arith.constant dense<0xFF800000> : vector<4xf32>
      %reduce_max3A_703 = vector.multi_reduction <maximumf>, %min3A_701, %reduce_max3A_702 [1, 2] : vector<4x32x128xf32> to vector<4xf32>
      %broadcast_in_dim3A_704 = vector.shape_cast %reduce_max3A_703 : vector<4xf32> to vector<4x1x1xf32>
      %eq3A_705 = vector.broadcast %broadcast_in_dim3A_704 : vector<4x1x1xf32> to vector<4x32x128xf32>
      %eq3A_706 = arith.cmpf oeq, %min3A_701, %eq3A_705 : vector<4x32x128xf32>
      %jit3A_707 = arith.constant 4096 : i32
      %broadcast_in_dim3A_708 = vector.broadcast %jit3A_707 : i32 to vector<4x32x128xi32>
      %select_n3A_709 = arith.select %eq3A_706, %get3A_641, %broadcast_in_dim3A_708 : vector<4x32x128xi1>, vector<4x32x128xi32>
      %reduce_min3A_710 = arith.constant dense<2147483647> : vector<4xi32>
      %reduce_min3A_711 = vector.multi_reduction <minsi>, %select_n3A_709, %reduce_min3A_710 [1, 2] : vector<4x32x128xi32> to vector<4xi32>
      %broadcast_in_dim3A_712 = vector.shape_cast %reduce_min3A_711 : vector<4xi32> to vector<4x1x1xi32>
      %eq3A_713 = vector.broadcast %scan3A_625 : i32 to vector<4x256xi32>
      %eq3A_714 = arith.cmpi eq, %iota3A_6, %eq3A_713 : vector<4x256xi32>
      %squeeze3A_715 = vector.shape_cast %broadcast_in_dim3A_712 : vector<4x1x1xi32> to vector<4x1xi32>
      %broadcast_in_dim3A_716 = vector.shape_cast %squeeze3A_715 : vector<4x1xi32> to vector<4x1xi32>
      %broadcast_in_dim3A_717 = vector.broadcast %broadcast_in_dim3A_716 : vector<4x1xi32> to vector<4x256xi32>
      %select_n3A_718 = arith.select %eq3A_714, %broadcast_in_dim3A_717, %select_n3A_623 : vector<4x256xi1>, vector<4x256xi32>
      %scan3A_719 = arith.constant 3 : i32
      %scan3A_720 = arith.addi %scan3A_429, %scan3A_719 : i32
      %get3A_721 = arith.constant 0 : index
      %get3A_722 = arith.constant 0 : index
      %get3A_723 = arith.constant 0 : index
      %get3A_724 = vector.load %arg0[%get3A_721, %get3A_722, %get3A_723] : memref<4x32x128xf32, #tpu.memory_space<vmem>>, vector<4x32x128xf32>
      %get3A_725 = arith.constant 0 : index
      %get3A_726 = arith.constant 0 : index
      %get3A_727 = arith.constant 0 : index
      %get3A_728 = vector.load %arg1[%get3A_725, %get3A_726, %get3A_727] : memref<4x32x128xf32, #tpu.memory_space<vmem>>, vector<4x32x128xf32>
      %get3A_729 = arith.constant 0 : index
      %get3A_730 = arith.constant 0 : index
      %get3A_731 = arith.constant 0 : index
      %get3A_732 = vector.load %arg2[%get3A_729, %get3A_730, %get3A_731] : memref<4x32x128xf32, #tpu.memory_space<vmem>>, vector<4x32x128xf32>
      %get3A_733 = arith.constant 0 : index
      %get3A_734 = arith.constant 0 : index
      %get3A_735 = arith.constant 0 : index
      %get3A_736 = vector.load %arg7[%get3A_733, %get3A_734, %get3A_735] : memref<4x32x128xi32, #tpu.memory_space<vmem>>, vector<4x32x128xi32>
      %eq3A_737 = vector.broadcast %broadcast_in_dim3A_712 : vector<4x1x1xi32> to vector<4x32x128xi32>
      %eq3A_738 = arith.cmpi eq, %get3A_736, %eq3A_737 : vector<4x32x128xi32>
      %jit3A_739 = arith.constant 0.000000e+00 : f32
      %broadcast_in_dim3A_740 = vector.broadcast %jit3A_739 : f32 to vector<4x32x128xf32>
      %select_n3A_741 = arith.select %eq3A_738, %broadcast_in_dim3A_740, %min3A_701 : vector<4x32x128xi1>, vector<4x32x128xf32>
      %jit3A_742 = arith.constant 0.000000e+00 : f32
      %broadcast_in_dim3A_743 = vector.broadcast %jit3A_742 : f32 to vector<4x32x128xf32>
      %select_n3A_744 = arith.select %eq3A_738, %get3A_724, %broadcast_in_dim3A_743 : vector<4x32x128xi1>, vector<4x32x128xf32>
      %reduce_sum3A_745 = arith.constant dense<0.000000e+00> : vector<4xf32>
      %reduce_sum3A_746 = vector.multi_reduction <add>, %select_n3A_744, %reduce_sum3A_745 [1, 2] : vector<4x32x128xf32> to vector<4xf32>
      %broadcast_in_dim3A_747 = vector.shape_cast %reduce_sum3A_746 : vector<4xf32> to vector<4x1x1xf32>
      %jit3A_748 = arith.constant 0.000000e+00 : f32
      %broadcast_in_dim3A_749 = vector.broadcast %jit3A_748 : f32 to vector<4x32x128xf32>
      %select_n3A_750 = arith.select %eq3A_738, %get3A_728, %broadcast_in_dim3A_749 : vector<4x32x128xi1>, vector<4x32x128xf32>
      %reduce_sum3A_751 = arith.constant dense<0.000000e+00> : vector<4xf32>
      %reduce_sum3A_752 = vector.multi_reduction <add>, %select_n3A_750, %reduce_sum3A_751 [1, 2] : vector<4x32x128xf32> to vector<4xf32>
      %broadcast_in_dim3A_753 = vector.shape_cast %reduce_sum3A_752 : vector<4xf32> to vector<4x1x1xf32>
      %jit3A_754 = arith.constant 0.000000e+00 : f32
      %broadcast_in_dim3A_755 = vector.broadcast %jit3A_754 : f32 to vector<4x32x128xf32>
      %select_n3A_756 = arith.select %eq3A_738, %get3A_732, %broadcast_in_dim3A_755 : vector<4x32x128xi1>, vector<4x32x128xf32>
      %reduce_sum3A_757 = arith.constant dense<0.000000e+00> : vector<4xf32>
      %reduce_sum3A_758 = vector.multi_reduction <add>, %select_n3A_756, %reduce_sum3A_757 [1, 2] : vector<4x32x128xf32> to vector<4xf32>
      %broadcast_in_dim3A_759 = vector.shape_cast %reduce_sum3A_758 : vector<4xf32> to vector<4x1x1xf32>
      %sub3A_760 = arith.constant 1 : i32
      %sub3A_761 = arith.subi %scan3A_720, %sub3A_760 : i32
      %eq3A_762 = vector.broadcast %sub3A_761 : i32 to vector<4x256xi32>
      %eq3A_763 = arith.cmpi eq, %iota3A_6, %eq3A_762 : vector<4x256xi32>
      %squeeze3A_764 = vector.shape_cast %broadcast_in_dim3A_747 : vector<4x1x1xf32> to vector<4x1xf32>
      %broadcast_in_dim3A_765 = vector.shape_cast %squeeze3A_764 : vector<4x1xf32> to vector<4x1xf32>
      %broadcast_in_dim3A_766 = vector.broadcast %broadcast_in_dim3A_765 : vector<4x1xf32> to vector<4x256xf32>
      %select_n3A_767 = arith.select %eq3A_763, %broadcast_in_dim3A_766, %select_n3A_672 : vector<4x256xi1>, vector<4x256xf32>
      %sub3A_768 = arith.constant 1 : i32
      %sub3A_769 = arith.subi %scan3A_720, %sub3A_768 : i32
      %eq3A_770 = vector.broadcast %sub3A_769 : i32 to vector<4x256xi32>
      %eq3A_771 = arith.cmpi eq, %iota3A_6, %eq3A_770 : vector<4x256xi32>
      %squeeze3A_772 = vector.shape_cast %broadcast_in_dim3A_753 : vector<4x1x1xf32> to vector<4x1xf32>
      %broadcast_in_dim3A_773 = vector.shape_cast %squeeze3A_772 : vector<4x1xf32> to vector<4x1xf32>
      %broadcast_in_dim3A_774 = vector.broadcast %broadcast_in_dim3A_773 : vector<4x1xf32> to vector<4x256xf32>
      %select_n3A_775 = arith.select %eq3A_771, %broadcast_in_dim3A_774, %select_n3A_680 : vector<4x256xi1>, vector<4x256xf32>
      %sub3A_776 = arith.constant 1 : i32
      %sub3A_777 = arith.subi %scan3A_720, %sub3A_776 : i32
      %eq3A_778 = vector.broadcast %sub3A_777 : i32 to vector<4x256xi32>
      %eq3A_779 = arith.cmpi eq, %iota3A_6, %eq3A_778 : vector<4x256xi32>
      %squeeze3A_780 = vector.shape_cast %broadcast_in_dim3A_759 : vector<4x1x1xf32> to vector<4x1xf32>
      %broadcast_in_dim3A_781 = vector.shape_cast %squeeze3A_780 : vector<4x1xf32> to vector<4x1xf32>
      %broadcast_in_dim3A_782 = vector.broadcast %broadcast_in_dim3A_781 : vector<4x1xf32> to vector<4x256xf32>
      %select_n3A_783 = arith.select %eq3A_779, %broadcast_in_dim3A_782, %select_n3A_688 : vector<4x256xi1>, vector<4x256xf32>
      %sub3A_784 = vector.broadcast %broadcast_in_dim3A_747 : vector<4x1x1xf32> to vector<4x32x128xf32>
      %sub3A_785 = arith.subf %get3A_724, %sub3A_784 : vector<4x32x128xf32>
      %sub3A_786 = vector.broadcast %broadcast_in_dim3A_753 : vector<4x1x1xf32> to vector<4x32x128xf32>
      %sub3A_787 = arith.subf %get3A_728, %sub3A_786 : vector<4x32x128xf32>
      %sub3A_788 = vector.broadcast %broadcast_in_dim3A_759 : vector<4x1x1xf32> to vector<4x32x128xf32>
      %sub3A_789 = arith.subf %get3A_732, %sub3A_788 : vector<4x32x128xf32>
      %mul3A_790 = arith.mulf %sub3A_785, %sub3A_785 : vector<4x32x128xf32>
      %mul3A_791 = arith.mulf %sub3A_787, %sub3A_787 : vector<4x32x128xf32>
      %add3A_792 = arith.addf %mul3A_790, %mul3A_791 : vector<4x32x128xf32>
      %mul3A_793 = arith.mulf %sub3A_789, %sub3A_789 : vector<4x32x128xf32>
      %add3A_794 = arith.addf %add3A_792, %mul3A_793 : vector<4x32x128xf32>
      %sqrt3A_795 = math.sqrt %add3A_794 : vector<4x32x128xf32>
      %min3A_796 = arith.minimumf %select_n3A_741, %sqrt3A_795 : vector<4x32x128xf32>
      %reduce_max3A_797 = arith.constant dense<0xFF800000> : vector<4xf32>
      %reduce_max3A_798 = vector.multi_reduction <maximumf>, %min3A_796, %reduce_max3A_797 [1, 2] : vector<4x32x128xf32> to vector<4xf32>
      %broadcast_in_dim3A_799 = vector.shape_cast %reduce_max3A_798 : vector<4xf32> to vector<4x1x1xf32>
      %eq3A_800 = vector.broadcast %broadcast_in_dim3A_799 : vector<4x1x1xf32> to vector<4x32x128xf32>
      %eq3A_801 = arith.cmpf oeq, %min3A_796, %eq3A_800 : vector<4x32x128xf32>
      %jit3A_802 = arith.constant 4096 : i32
      %broadcast_in_dim3A_803 = vector.broadcast %jit3A_802 : i32 to vector<4x32x128xi32>
      %select_n3A_804 = arith.select %eq3A_801, %get3A_736, %broadcast_in_dim3A_803 : vector<4x32x128xi1>, vector<4x32x128xi32>
      %reduce_min3A_805 = arith.constant dense<2147483647> : vector<4xi32>
      %reduce_min3A_806 = vector.multi_reduction <minsi>, %select_n3A_804, %reduce_min3A_805 [1, 2] : vector<4x32x128xi32> to vector<4xi32>
      %broadcast_in_dim3A_807 = vector.shape_cast %reduce_min3A_806 : vector<4xi32> to vector<4x1x1xi32>
      %eq3A_808 = vector.broadcast %scan3A_720 : i32 to vector<4x256xi32>
      %eq3A_809 = arith.cmpi eq, %iota3A_6, %eq3A_808 : vector<4x256xi32>
      %squeeze3A_810 = vector.shape_cast %broadcast_in_dim3A_807 : vector<4x1x1xi32> to vector<4x1xi32>
      %broadcast_in_dim3A_811 = vector.shape_cast %squeeze3A_810 : vector<4x1xi32> to vector<4x1xi32>
      %broadcast_in_dim3A_812 = vector.broadcast %broadcast_in_dim3A_811 : vector<4x1xi32> to vector<4x256xi32>
      %select_n3A_813 = arith.select %eq3A_809, %broadcast_in_dim3A_812, %select_n3A_718 : vector<4x256xi1>, vector<4x256xi32>
      scf.yield %min3A_796, %select_n3A_813, %select_n3A_767, %select_n3A_775, %select_n3A_783, %broadcast_in_dim3A_807 : vector<4x32x128xf32>, vector<4x256xi32>, vector<4x256xf32>, vector<4x256xf32>, vector<4x256xf32>, vector<4x1x1xi32>
    }
    %scan3A_18 = arith.constant 252 : i32
    %scan3A_19 = arith.addi %scan3A, %scan3A_18 : i32
    %get3A = arith.constant 0 : index
    %get3A_20 = arith.constant 0 : index
    %get3A_21 = arith.constant 0 : index
    %get3A_22 = vector.load %arg0[%get3A, %get3A_20, %get3A_21] : memref<4x32x128xf32, #tpu.memory_space<vmem>>, vector<4x32x128xf32>
    %get3A_23 = arith.constant 0 : index
    %get3A_24 = arith.constant 0 : index
    %get3A_25 = arith.constant 0 : index
    %get3A_26 = vector.load %arg1[%get3A_23, %get3A_24, %get3A_25] : memref<4x32x128xf32, #tpu.memory_space<vmem>>, vector<4x32x128xf32>
    %get3A_27 = arith.constant 0 : index
    %get3A_28 = arith.constant 0 : index
    %get3A_29 = arith.constant 0 : index
    %get3A_30 = vector.load %arg2[%get3A_27, %get3A_28, %get3A_29] : memref<4x32x128xf32, #tpu.memory_space<vmem>>, vector<4x32x128xf32>
    %get3A_31 = arith.constant 0 : index
    %get3A_32 = arith.constant 0 : index
    %get3A_33 = arith.constant 0 : index
    %get3A_34 = vector.load %arg7[%get3A_31, %get3A_32, %get3A_33] : memref<4x32x128xi32, #tpu.memory_space<vmem>>, vector<4x32x128xi32>
    %eq3A = vector.broadcast %scan3A_17#5 : vector<4x1x1xi32> to vector<4x32x128xi32>
    %eq3A_35 = arith.cmpi eq, %get3A_34, %eq3A : vector<4x32x128xi32>
    %jit3A = arith.constant 0.000000e+00 : f32
    %broadcast_in_dim3A_36 = vector.broadcast %jit3A : f32 to vector<4x32x128xf32>
    %select_n3A = arith.select %eq3A_35, %broadcast_in_dim3A_36, %scan3A_17#0 : vector<4x32x128xi1>, vector<4x32x128xf32>
    %jit3A_37 = arith.constant 0.000000e+00 : f32
    %broadcast_in_dim3A_38 = vector.broadcast %jit3A_37 : f32 to vector<4x32x128xf32>
    %select_n3A_39 = arith.select %eq3A_35, %get3A_22, %broadcast_in_dim3A_38 : vector<4x32x128xi1>, vector<4x32x128xf32>
    %reduce_sum3A = arith.constant dense<0.000000e+00> : vector<4xf32>
    %reduce_sum3A_40 = vector.multi_reduction <add>, %select_n3A_39, %reduce_sum3A [1, 2] : vector<4x32x128xf32> to vector<4xf32>
    %broadcast_in_dim3A_41 = vector.shape_cast %reduce_sum3A_40 : vector<4xf32> to vector<4x1x1xf32>
    %jit3A_42 = arith.constant 0.000000e+00 : f32
    %broadcast_in_dim3A_43 = vector.broadcast %jit3A_42 : f32 to vector<4x32x128xf32>
    %select_n3A_44 = arith.select %eq3A_35, %get3A_26, %broadcast_in_dim3A_43 : vector<4x32x128xi1>, vector<4x32x128xf32>
    %reduce_sum3A_45 = arith.constant dense<0.000000e+00> : vector<4xf32>
    %reduce_sum3A_46 = vector.multi_reduction <add>, %select_n3A_44, %reduce_sum3A_45 [1, 2] : vector<4x32x128xf32> to vector<4xf32>
    %broadcast_in_dim3A_47 = vector.shape_cast %reduce_sum3A_46 : vector<4xf32> to vector<4x1x1xf32>
    %jit3A_48 = arith.constant 0.000000e+00 : f32
    %broadcast_in_dim3A_49 = vector.broadcast %jit3A_48 : f32 to vector<4x32x128xf32>
    %select_n3A_50 = arith.select %eq3A_35, %get3A_30, %broadcast_in_dim3A_49 : vector<4x32x128xi1>, vector<4x32x128xf32>
    %reduce_sum3A_51 = arith.constant dense<0.000000e+00> : vector<4xf32>
    %reduce_sum3A_52 = vector.multi_reduction <add>, %select_n3A_50, %reduce_sum3A_51 [1, 2] : vector<4x32x128xf32> to vector<4xf32>
    %broadcast_in_dim3A_53 = vector.shape_cast %reduce_sum3A_52 : vector<4xf32> to vector<4x1x1xf32>
    %sub3A = arith.constant 1 : i32
    %sub3A_54 = arith.subi %scan3A_19, %sub3A : i32
    %eq3A_55 = vector.broadcast %sub3A_54 : i32 to vector<4x256xi32>
    %eq3A_56 = arith.cmpi eq, %iota3A_6, %eq3A_55 : vector<4x256xi32>
    %squeeze3A = vector.shape_cast %broadcast_in_dim3A_41 : vector<4x1x1xf32> to vector<4x1xf32>
    %broadcast_in_dim3A_57 = vector.shape_cast %squeeze3A : vector<4x1xf32> to vector<4x1xf32>
    %broadcast_in_dim3A_58 = vector.broadcast %broadcast_in_dim3A_57 : vector<4x1xf32> to vector<4x256xf32>
    %select_n3A_59 = arith.select %eq3A_56, %broadcast_in_dim3A_58, %scan3A_17#2 : vector<4x256xi1>, vector<4x256xf32>
    %sub3A_60 = arith.constant 1 : i32
    %sub3A_61 = arith.subi %scan3A_19, %sub3A_60 : i32
    %eq3A_62 = vector.broadcast %sub3A_61 : i32 to vector<4x256xi32>
    %eq3A_63 = arith.cmpi eq, %iota3A_6, %eq3A_62 : vector<4x256xi32>
    %squeeze3A_64 = vector.shape_cast %broadcast_in_dim3A_47 : vector<4x1x1xf32> to vector<4x1xf32>
    %broadcast_in_dim3A_65 = vector.shape_cast %squeeze3A_64 : vector<4x1xf32> to vector<4x1xf32>
    %broadcast_in_dim3A_66 = vector.broadcast %broadcast_in_dim3A_65 : vector<4x1xf32> to vector<4x256xf32>
    %select_n3A_67 = arith.select %eq3A_63, %broadcast_in_dim3A_66, %scan3A_17#3 : vector<4x256xi1>, vector<4x256xf32>
    %sub3A_68 = arith.constant 1 : i32
    %sub3A_69 = arith.subi %scan3A_19, %sub3A_68 : i32
    %eq3A_70 = vector.broadcast %sub3A_69 : i32 to vector<4x256xi32>
    %eq3A_71 = arith.cmpi eq, %iota3A_6, %eq3A_70 : vector<4x256xi32>
    %squeeze3A_72 = vector.shape_cast %broadcast_in_dim3A_53 : vector<4x1x1xf32> to vector<4x1xf32>
    %broadcast_in_dim3A_73 = vector.shape_cast %squeeze3A_72 : vector<4x1xf32> to vector<4x1xf32>
    %broadcast_in_dim3A_74 = vector.broadcast %broadcast_in_dim3A_73 : vector<4x1xf32> to vector<4x256xf32>
    %select_n3A_75 = arith.select %eq3A_71, %broadcast_in_dim3A_74, %scan3A_17#4 : vector<4x256xi1>, vector<4x256xf32>
    %sub3A_76 = vector.broadcast %broadcast_in_dim3A_41 : vector<4x1x1xf32> to vector<4x32x128xf32>
    %sub3A_77 = arith.subf %get3A_22, %sub3A_76 : vector<4x32x128xf32>
    %sub3A_78 = vector.broadcast %broadcast_in_dim3A_47 : vector<4x1x1xf32> to vector<4x32x128xf32>
    %sub3A_79 = arith.subf %get3A_26, %sub3A_78 : vector<4x32x128xf32>
    %sub3A_80 = vector.broadcast %broadcast_in_dim3A_53 : vector<4x1x1xf32> to vector<4x32x128xf32>
    %sub3A_81 = arith.subf %get3A_30, %sub3A_80 : vector<4x32x128xf32>
    %mul3A_82 = arith.mulf %sub3A_77, %sub3A_77 : vector<4x32x128xf32>
    %mul3A_83 = arith.mulf %sub3A_79, %sub3A_79 : vector<4x32x128xf32>
    %add3A_84 = arith.addf %mul3A_82, %mul3A_83 : vector<4x32x128xf32>
    %mul3A_85 = arith.mulf %sub3A_81, %sub3A_81 : vector<4x32x128xf32>
    %add3A_86 = arith.addf %add3A_84, %mul3A_85 : vector<4x32x128xf32>
    %sqrt3A = math.sqrt %add3A_86 : vector<4x32x128xf32>
    %min3A = arith.minimumf %select_n3A, %sqrt3A : vector<4x32x128xf32>
    %reduce_max3A = arith.constant dense<0xFF800000> : vector<4xf32>
    %reduce_max3A_87 = vector.multi_reduction <maximumf>, %min3A, %reduce_max3A [1, 2] : vector<4x32x128xf32> to vector<4xf32>
    %broadcast_in_dim3A_88 = vector.shape_cast %reduce_max3A_87 : vector<4xf32> to vector<4x1x1xf32>
    %eq3A_89 = vector.broadcast %broadcast_in_dim3A_88 : vector<4x1x1xf32> to vector<4x32x128xf32>
    %eq3A_90 = arith.cmpf oeq, %min3A, %eq3A_89 : vector<4x32x128xf32>
    %jit3A_91 = arith.constant 4096 : i32
    %broadcast_in_dim3A_92 = vector.broadcast %jit3A_91 : i32 to vector<4x32x128xi32>
    %select_n3A_93 = arith.select %eq3A_90, %get3A_34, %broadcast_in_dim3A_92 : vector<4x32x128xi1>, vector<4x32x128xi32>
    %reduce_min3A = arith.constant dense<2147483647> : vector<4xi32>
    %reduce_min3A_94 = vector.multi_reduction <minsi>, %select_n3A_93, %reduce_min3A [1, 2] : vector<4x32x128xi32> to vector<4xi32>
    %broadcast_in_dim3A_95 = vector.shape_cast %reduce_min3A_94 : vector<4xi32> to vector<4x1x1xi32>
    %eq3A_96 = vector.broadcast %scan3A_19 : i32 to vector<4x256xi32>
    %eq3A_97 = arith.cmpi eq, %iota3A_6, %eq3A_96 : vector<4x256xi32>
    %squeeze3A_98 = vector.shape_cast %broadcast_in_dim3A_95 : vector<4x1x1xi32> to vector<4x1xi32>
    %broadcast_in_dim3A_99 = vector.shape_cast %squeeze3A_98 : vector<4x1xi32> to vector<4x1xi32>
    %broadcast_in_dim3A_100 = vector.broadcast %broadcast_in_dim3A_99 : vector<4x1xi32> to vector<4x256xi32>
    %select_n3A_101 = arith.select %eq3A_97, %broadcast_in_dim3A_100, %scan3A_17#1 : vector<4x256xi1>, vector<4x256xi32>
    %scan3A_102 = arith.constant 253 : i32
    %scan3A_103 = arith.addi %scan3A, %scan3A_102 : i32
    %get3A_104 = arith.constant 0 : index
    %get3A_105 = arith.constant 0 : index
    %get3A_106 = arith.constant 0 : index
    %get3A_107 = vector.load %arg0[%get3A_104, %get3A_105, %get3A_106] : memref<4x32x128xf32, #tpu.memory_space<vmem>>, vector<4x32x128xf32>
    %get3A_108 = arith.constant 0 : index
    %get3A_109 = arith.constant 0 : index
    %get3A_110 = arith.constant 0 : index
    %get3A_111 = vector.load %arg1[%get3A_108, %get3A_109, %get3A_110] : memref<4x32x128xf32, #tpu.memory_space<vmem>>, vector<4x32x128xf32>
    %get3A_112 = arith.constant 0 : index
    %get3A_113 = arith.constant 0 : index
    %get3A_114 = arith.constant 0 : index
    %get3A_115 = vector.load %arg2[%get3A_112, %get3A_113, %get3A_114] : memref<4x32x128xf32, #tpu.memory_space<vmem>>, vector<4x32x128xf32>
    %get3A_116 = arith.constant 0 : index
    %get3A_117 = arith.constant 0 : index
    %get3A_118 = arith.constant 0 : index
    %get3A_119 = vector.load %arg7[%get3A_116, %get3A_117, %get3A_118] : memref<4x32x128xi32, #tpu.memory_space<vmem>>, vector<4x32x128xi32>
    %eq3A_120 = vector.broadcast %broadcast_in_dim3A_95 : vector<4x1x1xi32> to vector<4x32x128xi32>
    %eq3A_121 = arith.cmpi eq, %get3A_119, %eq3A_120 : vector<4x32x128xi32>
    %jit3A_122 = arith.constant 0.000000e+00 : f32
    %broadcast_in_dim3A_123 = vector.broadcast %jit3A_122 : f32 to vector<4x32x128xf32>
    %select_n3A_124 = arith.select %eq3A_121, %broadcast_in_dim3A_123, %min3A : vector<4x32x128xi1>, vector<4x32x128xf32>
    %jit3A_125 = arith.constant 0.000000e+00 : f32
    %broadcast_in_dim3A_126 = vector.broadcast %jit3A_125 : f32 to vector<4x32x128xf32>
    %select_n3A_127 = arith.select %eq3A_121, %get3A_107, %broadcast_in_dim3A_126 : vector<4x32x128xi1>, vector<4x32x128xf32>
    %reduce_sum3A_128 = arith.constant dense<0.000000e+00> : vector<4xf32>
    %reduce_sum3A_129 = vector.multi_reduction <add>, %select_n3A_127, %reduce_sum3A_128 [1, 2] : vector<4x32x128xf32> to vector<4xf32>
    %broadcast_in_dim3A_130 = vector.shape_cast %reduce_sum3A_129 : vector<4xf32> to vector<4x1x1xf32>
    %jit3A_131 = arith.constant 0.000000e+00 : f32
    %broadcast_in_dim3A_132 = vector.broadcast %jit3A_131 : f32 to vector<4x32x128xf32>
    %select_n3A_133 = arith.select %eq3A_121, %get3A_111, %broadcast_in_dim3A_132 : vector<4x32x128xi1>, vector<4x32x128xf32>
    %reduce_sum3A_134 = arith.constant dense<0.000000e+00> : vector<4xf32>
    %reduce_sum3A_135 = vector.multi_reduction <add>, %select_n3A_133, %reduce_sum3A_134 [1, 2] : vector<4x32x128xf32> to vector<4xf32>
    %broadcast_in_dim3A_136 = vector.shape_cast %reduce_sum3A_135 : vector<4xf32> to vector<4x1x1xf32>
    %jit3A_137 = arith.constant 0.000000e+00 : f32
    %broadcast_in_dim3A_138 = vector.broadcast %jit3A_137 : f32 to vector<4x32x128xf32>
    %select_n3A_139 = arith.select %eq3A_121, %get3A_115, %broadcast_in_dim3A_138 : vector<4x32x128xi1>, vector<4x32x128xf32>
    %reduce_sum3A_140 = arith.constant dense<0.000000e+00> : vector<4xf32>
    %reduce_sum3A_141 = vector.multi_reduction <add>, %select_n3A_139, %reduce_sum3A_140 [1, 2] : vector<4x32x128xf32> to vector<4xf32>
    %broadcast_in_dim3A_142 = vector.shape_cast %reduce_sum3A_141 : vector<4xf32> to vector<4x1x1xf32>
    %sub3A_143 = arith.constant 1 : i32
    %sub3A_144 = arith.subi %scan3A_103, %sub3A_143 : i32
    %eq3A_145 = vector.broadcast %sub3A_144 : i32 to vector<4x256xi32>
    %eq3A_146 = arith.cmpi eq, %iota3A_6, %eq3A_145 : vector<4x256xi32>
    %squeeze3A_147 = vector.shape_cast %broadcast_in_dim3A_130 : vector<4x1x1xf32> to vector<4x1xf32>
    %broadcast_in_dim3A_148 = vector.shape_cast %squeeze3A_147 : vector<4x1xf32> to vector<4x1xf32>
    %broadcast_in_dim3A_149 = vector.broadcast %broadcast_in_dim3A_148 : vector<4x1xf32> to vector<4x256xf32>
    %select_n3A_150 = arith.select %eq3A_146, %broadcast_in_dim3A_149, %select_n3A_59 : vector<4x256xi1>, vector<4x256xf32>
    %sub3A_151 = arith.constant 1 : i32
    %sub3A_152 = arith.subi %scan3A_103, %sub3A_151 : i32
    %eq3A_153 = vector.broadcast %sub3A_152 : i32 to vector<4x256xi32>
    %eq3A_154 = arith.cmpi eq, %iota3A_6, %eq3A_153 : vector<4x256xi32>
    %squeeze3A_155 = vector.shape_cast %broadcast_in_dim3A_136 : vector<4x1x1xf32> to vector<4x1xf32>
    %broadcast_in_dim3A_156 = vector.shape_cast %squeeze3A_155 : vector<4x1xf32> to vector<4x1xf32>
    %broadcast_in_dim3A_157 = vector.broadcast %broadcast_in_dim3A_156 : vector<4x1xf32> to vector<4x256xf32>
    %select_n3A_158 = arith.select %eq3A_154, %broadcast_in_dim3A_157, %select_n3A_67 : vector<4x256xi1>, vector<4x256xf32>
    %sub3A_159 = arith.constant 1 : i32
    %sub3A_160 = arith.subi %scan3A_103, %sub3A_159 : i32
    %eq3A_161 = vector.broadcast %sub3A_160 : i32 to vector<4x256xi32>
    %eq3A_162 = arith.cmpi eq, %iota3A_6, %eq3A_161 : vector<4x256xi32>
    %squeeze3A_163 = vector.shape_cast %broadcast_in_dim3A_142 : vector<4x1x1xf32> to vector<4x1xf32>
    %broadcast_in_dim3A_164 = vector.shape_cast %squeeze3A_163 : vector<4x1xf32> to vector<4x1xf32>
    %broadcast_in_dim3A_165 = vector.broadcast %broadcast_in_dim3A_164 : vector<4x1xf32> to vector<4x256xf32>
    %select_n3A_166 = arith.select %eq3A_162, %broadcast_in_dim3A_165, %select_n3A_75 : vector<4x256xi1>, vector<4x256xf32>
    %sub3A_167 = vector.broadcast %broadcast_in_dim3A_130 : vector<4x1x1xf32> to vector<4x32x128xf32>
    %sub3A_168 = arith.subf %get3A_107, %sub3A_167 : vector<4x32x128xf32>
    %sub3A_169 = vector.broadcast %broadcast_in_dim3A_136 : vector<4x1x1xf32> to vector<4x32x128xf32>
    %sub3A_170 = arith.subf %get3A_111, %sub3A_169 : vector<4x32x128xf32>
    %sub3A_171 = vector.broadcast %broadcast_in_dim3A_142 : vector<4x1x1xf32> to vector<4x32x128xf32>
    %sub3A_172 = arith.subf %get3A_115, %sub3A_171 : vector<4x32x128xf32>
    %mul3A_173 = arith.mulf %sub3A_168, %sub3A_168 : vector<4x32x128xf32>
    %mul3A_174 = arith.mulf %sub3A_170, %sub3A_170 : vector<4x32x128xf32>
    %add3A_175 = arith.addf %mul3A_173, %mul3A_174 : vector<4x32x128xf32>
    %mul3A_176 = arith.mulf %sub3A_172, %sub3A_172 : vector<4x32x128xf32>
    %add3A_177 = arith.addf %add3A_175, %mul3A_176 : vector<4x32x128xf32>
    %sqrt3A_178 = math.sqrt %add3A_177 : vector<4x32x128xf32>
    %min3A_179 = arith.minimumf %select_n3A_124, %sqrt3A_178 : vector<4x32x128xf32>
    %reduce_max3A_180 = arith.constant dense<0xFF800000> : vector<4xf32>
    %reduce_max3A_181 = vector.multi_reduction <maximumf>, %min3A_179, %reduce_max3A_180 [1, 2] : vector<4x32x128xf32> to vector<4xf32>
    %broadcast_in_dim3A_182 = vector.shape_cast %reduce_max3A_181 : vector<4xf32> to vector<4x1x1xf32>
    %eq3A_183 = vector.broadcast %broadcast_in_dim3A_182 : vector<4x1x1xf32> to vector<4x32x128xf32>
    %eq3A_184 = arith.cmpf oeq, %min3A_179, %eq3A_183 : vector<4x32x128xf32>
    %jit3A_185 = arith.constant 4096 : i32
    %broadcast_in_dim3A_186 = vector.broadcast %jit3A_185 : i32 to vector<4x32x128xi32>
    %select_n3A_187 = arith.select %eq3A_184, %get3A_119, %broadcast_in_dim3A_186 : vector<4x32x128xi1>, vector<4x32x128xi32>
    %reduce_min3A_188 = arith.constant dense<2147483647> : vector<4xi32>
    %reduce_min3A_189 = vector.multi_reduction <minsi>, %select_n3A_187, %reduce_min3A_188 [1, 2] : vector<4x32x128xi32> to vector<4xi32>
    %broadcast_in_dim3A_190 = vector.shape_cast %reduce_min3A_189 : vector<4xi32> to vector<4x1x1xi32>
    %eq3A_191 = vector.broadcast %scan3A_103 : i32 to vector<4x256xi32>
    %eq3A_192 = arith.cmpi eq, %iota3A_6, %eq3A_191 : vector<4x256xi32>
    %squeeze3A_193 = vector.shape_cast %broadcast_in_dim3A_190 : vector<4x1x1xi32> to vector<4x1xi32>
    %broadcast_in_dim3A_194 = vector.shape_cast %squeeze3A_193 : vector<4x1xi32> to vector<4x1xi32>
    %broadcast_in_dim3A_195 = vector.broadcast %broadcast_in_dim3A_194 : vector<4x1xi32> to vector<4x256xi32>
    %select_n3A_196 = arith.select %eq3A_192, %broadcast_in_dim3A_195, %select_n3A_101 : vector<4x256xi1>, vector<4x256xi32>
    %scan3A_197 = arith.constant 254 : i32
    %scan3A_198 = arith.addi %scan3A, %scan3A_197 : i32
    %get3A_199 = arith.constant 0 : index
    %get3A_200 = arith.constant 0 : index
    %get3A_201 = arith.constant 0 : index
    %get3A_202 = vector.load %arg0[%get3A_199, %get3A_200, %get3A_201] : memref<4x32x128xf32, #tpu.memory_space<vmem>>, vector<4x32x128xf32>
    %get3A_203 = arith.constant 0 : index
    %get3A_204 = arith.constant 0 : index
    %get3A_205 = arith.constant 0 : index
    %get3A_206 = vector.load %arg1[%get3A_203, %get3A_204, %get3A_205] : memref<4x32x128xf32, #tpu.memory_space<vmem>>, vector<4x32x128xf32>
    %get3A_207 = arith.constant 0 : index
    %get3A_208 = arith.constant 0 : index
    %get3A_209 = arith.constant 0 : index
    %get3A_210 = vector.load %arg2[%get3A_207, %get3A_208, %get3A_209] : memref<4x32x128xf32, #tpu.memory_space<vmem>>, vector<4x32x128xf32>
    %get3A_211 = arith.constant 0 : index
    %get3A_212 = arith.constant 0 : index
    %get3A_213 = arith.constant 0 : index
    %get3A_214 = vector.load %arg7[%get3A_211, %get3A_212, %get3A_213] : memref<4x32x128xi32, #tpu.memory_space<vmem>>, vector<4x32x128xi32>
    %eq3A_215 = vector.broadcast %broadcast_in_dim3A_190 : vector<4x1x1xi32> to vector<4x32x128xi32>
    %eq3A_216 = arith.cmpi eq, %get3A_214, %eq3A_215 : vector<4x32x128xi32>
    %jit3A_217 = arith.constant 0.000000e+00 : f32
    %broadcast_in_dim3A_218 = vector.broadcast %jit3A_217 : f32 to vector<4x32x128xf32>
    %select_n3A_219 = arith.select %eq3A_216, %broadcast_in_dim3A_218, %min3A_179 : vector<4x32x128xi1>, vector<4x32x128xf32>
    %jit3A_220 = arith.constant 0.000000e+00 : f32
    %broadcast_in_dim3A_221 = vector.broadcast %jit3A_220 : f32 to vector<4x32x128xf32>
    %select_n3A_222 = arith.select %eq3A_216, %get3A_202, %broadcast_in_dim3A_221 : vector<4x32x128xi1>, vector<4x32x128xf32>
    %reduce_sum3A_223 = arith.constant dense<0.000000e+00> : vector<4xf32>
    %reduce_sum3A_224 = vector.multi_reduction <add>, %select_n3A_222, %reduce_sum3A_223 [1, 2] : vector<4x32x128xf32> to vector<4xf32>
    %broadcast_in_dim3A_225 = vector.shape_cast %reduce_sum3A_224 : vector<4xf32> to vector<4x1x1xf32>
    %jit3A_226 = arith.constant 0.000000e+00 : f32
    %broadcast_in_dim3A_227 = vector.broadcast %jit3A_226 : f32 to vector<4x32x128xf32>
    %select_n3A_228 = arith.select %eq3A_216, %get3A_206, %broadcast_in_dim3A_227 : vector<4x32x128xi1>, vector<4x32x128xf32>
    %reduce_sum3A_229 = arith.constant dense<0.000000e+00> : vector<4xf32>
    %reduce_sum3A_230 = vector.multi_reduction <add>, %select_n3A_228, %reduce_sum3A_229 [1, 2] : vector<4x32x128xf32> to vector<4xf32>
    %broadcast_in_dim3A_231 = vector.shape_cast %reduce_sum3A_230 : vector<4xf32> to vector<4x1x1xf32>
    %jit3A_232 = arith.constant 0.000000e+00 : f32
    %broadcast_in_dim3A_233 = vector.broadcast %jit3A_232 : f32 to vector<4x32x128xf32>
    %select_n3A_234 = arith.select %eq3A_216, %get3A_210, %broadcast_in_dim3A_233 : vector<4x32x128xi1>, vector<4x32x128xf32>
    %reduce_sum3A_235 = arith.constant dense<0.000000e+00> : vector<4xf32>
    %reduce_sum3A_236 = vector.multi_reduction <add>, %select_n3A_234, %reduce_sum3A_235 [1, 2] : vector<4x32x128xf32> to vector<4xf32>
    %broadcast_in_dim3A_237 = vector.shape_cast %reduce_sum3A_236 : vector<4xf32> to vector<4x1x1xf32>
    %sub3A_238 = arith.constant 1 : i32
    %sub3A_239 = arith.subi %scan3A_198, %sub3A_238 : i32
    %eq3A_240 = vector.broadcast %sub3A_239 : i32 to vector<4x256xi32>
    %eq3A_241 = arith.cmpi eq, %iota3A_6, %eq3A_240 : vector<4x256xi32>
    %squeeze3A_242 = vector.shape_cast %broadcast_in_dim3A_225 : vector<4x1x1xf32> to vector<4x1xf32>
    %broadcast_in_dim3A_243 = vector.shape_cast %squeeze3A_242 : vector<4x1xf32> to vector<4x1xf32>
    %broadcast_in_dim3A_244 = vector.broadcast %broadcast_in_dim3A_243 : vector<4x1xf32> to vector<4x256xf32>
    %select_n3A_245 = arith.select %eq3A_241, %broadcast_in_dim3A_244, %select_n3A_150 : vector<4x256xi1>, vector<4x256xf32>
    %sub3A_246 = arith.constant 1 : i32
    %sub3A_247 = arith.subi %scan3A_198, %sub3A_246 : i32
    %eq3A_248 = vector.broadcast %sub3A_247 : i32 to vector<4x256xi32>
    %eq3A_249 = arith.cmpi eq, %iota3A_6, %eq3A_248 : vector<4x256xi32>
    %squeeze3A_250 = vector.shape_cast %broadcast_in_dim3A_231 : vector<4x1x1xf32> to vector<4x1xf32>
    %broadcast_in_dim3A_251 = vector.shape_cast %squeeze3A_250 : vector<4x1xf32> to vector<4x1xf32>
    %broadcast_in_dim3A_252 = vector.broadcast %broadcast_in_dim3A_251 : vector<4x1xf32> to vector<4x256xf32>
    %select_n3A_253 = arith.select %eq3A_249, %broadcast_in_dim3A_252, %select_n3A_158 : vector<4x256xi1>, vector<4x256xf32>
    %sub3A_254 = arith.constant 1 : i32
    %sub3A_255 = arith.subi %scan3A_198, %sub3A_254 : i32
    %eq3A_256 = vector.broadcast %sub3A_255 : i32 to vector<4x256xi32>
    %eq3A_257 = arith.cmpi eq, %iota3A_6, %eq3A_256 : vector<4x256xi32>
    %squeeze3A_258 = vector.shape_cast %broadcast_in_dim3A_237 : vector<4x1x1xf32> to vector<4x1xf32>
    %broadcast_in_dim3A_259 = vector.shape_cast %squeeze3A_258 : vector<4x1xf32> to vector<4x1xf32>
    %broadcast_in_dim3A_260 = vector.broadcast %broadcast_in_dim3A_259 : vector<4x1xf32> to vector<4x256xf32>
    %select_n3A_261 = arith.select %eq3A_257, %broadcast_in_dim3A_260, %select_n3A_166 : vector<4x256xi1>, vector<4x256xf32>
    %sub3A_262 = vector.broadcast %broadcast_in_dim3A_225 : vector<4x1x1xf32> to vector<4x32x128xf32>
    %sub3A_263 = arith.subf %get3A_202, %sub3A_262 : vector<4x32x128xf32>
    %sub3A_264 = vector.broadcast %broadcast_in_dim3A_231 : vector<4x1x1xf32> to vector<4x32x128xf32>
    %sub3A_265 = arith.subf %get3A_206, %sub3A_264 : vector<4x32x128xf32>
    %sub3A_266 = vector.broadcast %broadcast_in_dim3A_237 : vector<4x1x1xf32> to vector<4x32x128xf32>
    %sub3A_267 = arith.subf %get3A_210, %sub3A_266 : vector<4x32x128xf32>
    %mul3A_268 = arith.mulf %sub3A_263, %sub3A_263 : vector<4x32x128xf32>
    %mul3A_269 = arith.mulf %sub3A_265, %sub3A_265 : vector<4x32x128xf32>
    %add3A_270 = arith.addf %mul3A_268, %mul3A_269 : vector<4x32x128xf32>
    %mul3A_271 = arith.mulf %sub3A_267, %sub3A_267 : vector<4x32x128xf32>
    %add3A_272 = arith.addf %add3A_270, %mul3A_271 : vector<4x32x128xf32>
    %sqrt3A_273 = math.sqrt %add3A_272 : vector<4x32x128xf32>
    %min3A_274 = arith.minimumf %select_n3A_219, %sqrt3A_273 : vector<4x32x128xf32>
    %reduce_max3A_275 = arith.constant dense<0xFF800000> : vector<4xf32>
    %reduce_max3A_276 = vector.multi_reduction <maximumf>, %min3A_274, %reduce_max3A_275 [1, 2] : vector<4x32x128xf32> to vector<4xf32>
    %broadcast_in_dim3A_277 = vector.shape_cast %reduce_max3A_276 : vector<4xf32> to vector<4x1x1xf32>
    %eq3A_278 = vector.broadcast %broadcast_in_dim3A_277 : vector<4x1x1xf32> to vector<4x32x128xf32>
    %eq3A_279 = arith.cmpf oeq, %min3A_274, %eq3A_278 : vector<4x32x128xf32>
    %jit3A_280 = arith.constant 4096 : i32
    %broadcast_in_dim3A_281 = vector.broadcast %jit3A_280 : i32 to vector<4x32x128xi32>
    %select_n3A_282 = arith.select %eq3A_279, %get3A_214, %broadcast_in_dim3A_281 : vector<4x32x128xi1>, vector<4x32x128xi32>
    %reduce_min3A_283 = arith.constant dense<2147483647> : vector<4xi32>
    %reduce_min3A_284 = vector.multi_reduction <minsi>, %select_n3A_282, %reduce_min3A_283 [1, 2] : vector<4x32x128xi32> to vector<4xi32>
    %broadcast_in_dim3A_285 = vector.shape_cast %reduce_min3A_284 : vector<4xi32> to vector<4x1x1xi32>
    %eq3A_286 = vector.broadcast %scan3A_198 : i32 to vector<4x256xi32>
    %eq3A_287 = arith.cmpi eq, %iota3A_6, %eq3A_286 : vector<4x256xi32>
    %squeeze3A_288 = vector.shape_cast %broadcast_in_dim3A_285 : vector<4x1x1xi32> to vector<4x1xi32>
    %broadcast_in_dim3A_289 = vector.shape_cast %squeeze3A_288 : vector<4x1xi32> to vector<4x1xi32>
    %broadcast_in_dim3A_290 = vector.broadcast %broadcast_in_dim3A_289 : vector<4x1xi32> to vector<4x256xi32>
    %select_n3A_291 = arith.select %eq3A_287, %broadcast_in_dim3A_290, %select_n3A_196 : vector<4x256xi1>, vector<4x256xi32>
    %scan3A_292 = arith.constant 255 : i32
    %get3A_293 = arith.constant 0 : index
    %get3A_294 = arith.constant 0 : index
    %get3A_295 = arith.constant 0 : index
    %get3A_296 = vector.load %arg0[%get3A_293, %get3A_294, %get3A_295] : memref<4x32x128xf32, #tpu.memory_space<vmem>>, vector<4x32x128xf32>
    %get3A_297 = arith.constant 0 : index
    %get3A_298 = arith.constant 0 : index
    %get3A_299 = arith.constant 0 : index
    %get3A_300 = vector.load %arg1[%get3A_297, %get3A_298, %get3A_299] : memref<4x32x128xf32, #tpu.memory_space<vmem>>, vector<4x32x128xf32>
    %get3A_301 = arith.constant 0 : index
    %get3A_302 = arith.constant 0 : index
    %get3A_303 = arith.constant 0 : index
    %get3A_304 = vector.load %arg2[%get3A_301, %get3A_302, %get3A_303] : memref<4x32x128xf32, #tpu.memory_space<vmem>>, vector<4x32x128xf32>
    %get3A_305 = arith.constant 0 : index
    %get3A_306 = arith.constant 0 : index
    %get3A_307 = arith.constant 0 : index
    %get3A_308 = vector.load %arg7[%get3A_305, %get3A_306, %get3A_307] : memref<4x32x128xi32, #tpu.memory_space<vmem>>, vector<4x32x128xi32>
    %eq3A_309 = vector.broadcast %broadcast_in_dim3A_285 : vector<4x1x1xi32> to vector<4x32x128xi32>
    %eq3A_310 = arith.cmpi eq, %get3A_308, %eq3A_309 : vector<4x32x128xi32>
    %jit3A_311 = arith.constant 0.000000e+00 : f32
    %broadcast_in_dim3A_312 = vector.broadcast %jit3A_311 : f32 to vector<4x32x128xf32>
    %select_n3A_313 = arith.select %eq3A_310, %get3A_296, %broadcast_in_dim3A_312 : vector<4x32x128xi1>, vector<4x32x128xf32>
    %reduce_sum3A_314 = arith.constant dense<0.000000e+00> : vector<4xf32>
    %reduce_sum3A_315 = vector.multi_reduction <add>, %select_n3A_313, %reduce_sum3A_314 [1, 2] : vector<4x32x128xf32> to vector<4xf32>
    %broadcast_in_dim3A_316 = vector.shape_cast %reduce_sum3A_315 : vector<4xf32> to vector<4x1x1xf32>
    %jit3A_317 = arith.constant 0.000000e+00 : f32
    %broadcast_in_dim3A_318 = vector.broadcast %jit3A_317 : f32 to vector<4x32x128xf32>
    %select_n3A_319 = arith.select %eq3A_310, %get3A_300, %broadcast_in_dim3A_318 : vector<4x32x128xi1>, vector<4x32x128xf32>
    %reduce_sum3A_320 = arith.constant dense<0.000000e+00> : vector<4xf32>
    %reduce_sum3A_321 = vector.multi_reduction <add>, %select_n3A_319, %reduce_sum3A_320 [1, 2] : vector<4x32x128xf32> to vector<4xf32>
    %broadcast_in_dim3A_322 = vector.shape_cast %reduce_sum3A_321 : vector<4xf32> to vector<4x1x1xf32>
    %jit3A_323 = arith.constant 0.000000e+00 : f32
    %broadcast_in_dim3A_324 = vector.broadcast %jit3A_323 : f32 to vector<4x32x128xf32>
    %select_n3A_325 = arith.select %eq3A_310, %get3A_304, %broadcast_in_dim3A_324 : vector<4x32x128xi1>, vector<4x32x128xf32>
    %reduce_sum3A_326 = arith.constant dense<0.000000e+00> : vector<4xf32>
    %reduce_sum3A_327 = vector.multi_reduction <add>, %select_n3A_325, %reduce_sum3A_326 [1, 2] : vector<4x32x128xf32> to vector<4xf32>
    %broadcast_in_dim3A_328 = vector.shape_cast %reduce_sum3A_327 : vector<4xf32> to vector<4x1x1xf32>
    %eq3A_329 = arith.constant 255 : i32
    %eq3A_330 = vector.broadcast %eq3A_329 : i32 to vector<4x256xi32>
    %eq3A_331 = arith.cmpi eq, %iota3A_6, %eq3A_330 : vector<4x256xi32>
    %squeeze3A_332 = vector.shape_cast %broadcast_in_dim3A_316 : vector<4x1x1xf32> to vector<4x1xf32>
    %broadcast_in_dim3A_333 = vector.shape_cast %squeeze3A_332 : vector<4x1xf32> to vector<4x1xf32>
    %broadcast_in_dim3A_334 = vector.broadcast %broadcast_in_dim3A_333 : vector<4x1xf32> to vector<4x256xf32>
    %select_n3A_335 = arith.select %eq3A_331, %broadcast_in_dim3A_334, %select_n3A_245 : vector<4x256xi1>, vector<4x256xf32>
    %eq3A_336 = arith.constant 255 : i32
    %eq3A_337 = vector.broadcast %eq3A_336 : i32 to vector<4x256xi32>
    %eq3A_338 = arith.cmpi eq, %iota3A_6, %eq3A_337 : vector<4x256xi32>
    %squeeze3A_339 = vector.shape_cast %broadcast_in_dim3A_322 : vector<4x1x1xf32> to vector<4x1xf32>
    %broadcast_in_dim3A_340 = vector.shape_cast %squeeze3A_339 : vector<4x1xf32> to vector<4x1xf32>
    %broadcast_in_dim3A_341 = vector.broadcast %broadcast_in_dim3A_340 : vector<4x1xf32> to vector<4x256xf32>
    %select_n3A_342 = arith.select %eq3A_338, %broadcast_in_dim3A_341, %select_n3A_253 : vector<4x256xi1>, vector<4x256xf32>
    %eq3A_343 = arith.constant 255 : i32
    %eq3A_344 = vector.broadcast %eq3A_343 : i32 to vector<4x256xi32>
    %eq3A_345 = arith.cmpi eq, %iota3A_6, %eq3A_344 : vector<4x256xi32>
    %squeeze3A_346 = vector.shape_cast %broadcast_in_dim3A_328 : vector<4x1x1xf32> to vector<4x1xf32>
    %broadcast_in_dim3A_347 = vector.shape_cast %squeeze3A_346 : vector<4x1xf32> to vector<4x1xf32>
    %broadcast_in_dim3A_348 = vector.broadcast %broadcast_in_dim3A_347 : vector<4x1xf32> to vector<4x256xf32>
    %select_n3A_349 = arith.select %eq3A_345, %broadcast_in_dim3A_348, %select_n3A_261 : vector<4x256xi1>, vector<4x256xf32>
    %reduce_sum3A_350 = arith.constant dense<0.000000e+00> : vector<4xf32>
    %reduce_sum3A_351 = vector.multi_reduction <add>, %get3A_304, %reduce_sum3A_350 [1, 2] : vector<4x32x128xf32> to vector<4xf32>
    %broadcast_in_dim3A_352 = vector.shape_cast %reduce_sum3A_351 : vector<4xf32> to vector<4x1x1xf32>
    %div3A = arith.constant 4.096000e+03 : f32
    %div3A_353 = vector.broadcast %div3A : f32 to vector<4x1x1xf32>
    %div3A_354 = arith.divf %broadcast_in_dim3A_352, %div3A_353 : vector<4x1x1xf32>
    %squeeze3A_355 = vector.shape_cast %div3A_354 : vector<4x1x1xf32> to vector<4x1xf32>
    %sub3A_356 = vector.broadcast %squeeze3A_355 : vector<4x1xf32> to vector<4x256xf32>
    %sub3A_357 = arith.subf %select_n3A_349, %sub3A_356 : vector<4x256xf32>
    %div3A_358 = arith.constant 5.000000e+00 : f32
    %div3A_359 = vector.broadcast %div3A_358 : f32 to vector<4x256xf32>
    %div3A_360 = arith.divf %sub3A_357, %div3A_359 : vector<4x256xf32>
    %logistic3A = arith.negf %div3A_360 : vector<4x256xf32>
    %logistic3A_361 = math.exp %logistic3A : vector<4x256xf32>
    %logistic3A_362 = arith.constant 1.000000e+00 : f32
    %logistic3A_363 = vector.broadcast %logistic3A_362 : f32 to vector<4x256xf32>
    %logistic3A_364 = arith.addf %logistic3A_363, %logistic3A_361 : vector<4x256xf32>
    %logistic3A_365 = arith.divf %logistic3A_363, %logistic3A_364 : vector<4x256xf32>
    %mul3A_366 = arith.constant 0.949999988 : f32
    %mul3A_367 = vector.broadcast %mul3A_366 : f32 to vector<4x256xf32>
    %mul3A_368 = arith.mulf %logistic3A_365, %mul3A_367 : vector<4x256xf32>
    %add3A_369 = arith.constant 1.000000e+00 : f32
    %add3A_370 = vector.broadcast %add3A_369 : f32 to vector<4x256xf32>
    %add3A_371 = arith.addf %add3A_370, %mul3A_368 : vector<4x256xf32>
    %swap3A_372 = arith.constant 0 : index
    %swap3A_373 = arith.constant 0 : index
    %swap3A_374 = vector.load %arg4[%swap3A_372, %swap3A_373] : memref<4x256xf32, #tpu.memory_space<vmem>>, vector<4x256xf32>
    tpu.vector_store %arg4[%swap3A_372, %swap3A_373], %add3A_371 {strides = array<i32>} : memref<4x256xf32, #tpu.memory_space<vmem>>, vector<4x256xf32>,
    %sub3A_375 = vector.broadcast %div3A_354 : vector<4x1x1xf32> to vector<4x32x128xf32>
    %sub3A_376 = arith.subf %get3A_304, %sub3A_375 : vector<4x32x128xf32>
    %integer_pow3A = arith.mulf %sub3A_376, %sub3A_376 : vector<4x32x128xf32>
    %reduce_sum3A_377 = arith.constant dense<0.000000e+00> : vector<4xf32>
    %reduce_sum3A_378 = vector.multi_reduction <add>, %integer_pow3A, %reduce_sum3A_377 [1, 2] : vector<4x32x128xf32> to vector<4xf32>
    %broadcast_in_dim3A_379 = vector.shape_cast %reduce_sum3A_378 : vector<4xf32> to vector<4x1x1xf32>
    %div3A_380 = arith.constant 4.095000e+03 : f32
    %div3A_381 = vector.broadcast %div3A_380 : f32 to vector<4x1x1xf32>
    %div3A_382 = arith.divf %broadcast_in_dim3A_379, %div3A_381 : vector<4x1x1xf32>
    %squeeze3A_383 = vector.shape_cast %div3A_382 : vector<4x1x1xf32> to vector<4x1xf32>
    %neg3A = arith.constant 0.000000e+00 : f32
    %neg3A_384 = vector.broadcast %neg3A : f32 to vector<4x1xf32>
    %neg3A_385 = arith.subf %neg3A_384, %squeeze3A_383 : vector<4x1xf32>
    %div3A_386 = arith.constant 1.000000e-01 : f32
    %div3A_387 = vector.broadcast %div3A_386 : f32 to vector<4x1xf32>
    %div3A_388 = arith.divf %neg3A_385, %div3A_387 : vector<4x1xf32>
    %exp3A = math.exp %div3A_388 : vector<4x1xf32>
    %mul3A_389 = arith.constant 0.899999976 : f32
    %mul3A_390 = vector.broadcast %mul3A_389 : f32 to vector<4x1xf32>
    %mul3A_391 = arith.mulf %exp3A, %mul3A_390 : vector<4x1xf32>
    %add3A_392 = arith.constant 1.000000e+00 : f32
    %add3A_393 = vector.broadcast %add3A_392 : f32 to vector<4x1xf32>
    %add3A_394 = arith.addf %add3A_393, %mul3A_391 : vector<4x1xf32>
    %broadcast_in_dim3A_395 = vector.shape_cast %add3A_394 : vector<4x1xf32> to vector<4x1xf32>
    %broadcast_in_dim3A_396 = vector.broadcast %broadcast_in_dim3A_395 : vector<4x1xf32> to vector<4x128xf32>
    %swap3A_397 = arith.constant 0 : index
    %swap3A_398 = arith.constant 0 : index
    %swap3A_399 = vector.load %arg6[%swap3A_397, %swap3A_398] : memref<4x128xf32, #tpu.memory_space<vmem>>, vector<4x128xf32>
    tpu.vector_store %arg6[%swap3A_397, %swap3A_398], %broadcast_in_dim3A_396 {strides = array<i32>} : memref<4x128xf32, #tpu.memory_space<vmem>>, vector<4x128xf32>,
    %iota3A_400 = tpu.iota {dimensions = array<i32: 1>} : vector<4x64xi32>
    %broadcast_in_dim3A_401 = arith.constant 0.000000e+00 : f32
    %broadcast_in_dim3A_402 = vector.broadcast %broadcast_in_dim3A_401 : f32 to vector<4x64xf32>
    %scan3A_403 = arith.constant 0 : i32
    %scan3A_404 = arith.constant 64 : i32
    %scan3A_405 = arith.addi %scan3A_403, %scan3A_404 : i32
    %scan3A_406 = arith.constant 1 : i32
    %scan3A_407 = scf.for %scan3A_429 = %scan3A_403 to %scan3A_405 step %scan3A_406 iter_args(%scan3A_430 = %broadcast_in_dim3A_402) -> (vector<4x64xf32>)  : i32 {
      %get3A_431 = arith.constant 0 : index
      %get3A_432 = arith.constant 0 : index
      %get3A_433 = arith.constant 0 : index
      %get3A_434 = vector.load %arg0[%get3A_431, %get3A_432, %get3A_433] : memref<4x32x128xf32, #tpu.memory_space<vmem>>, vector<4x32x128xf32>
      %get3A_435 = arith.constant 0 : index
      %get3A_436 = arith.constant 0 : index
      %get3A_437 = arith.constant 0 : index
      %get3A_438 = vector.load %arg1[%get3A_435, %get3A_436, %get3A_437] : memref<4x32x128xf32, #tpu.memory_space<vmem>>, vector<4x32x128xf32>
      %get3A_439 = arith.constant 0 : index
      %get3A_440 = arith.constant 0 : index
      %get3A_441 = arith.constant 0 : index
      %get3A_442 = vector.load %arg2[%get3A_439, %get3A_440, %get3A_441] : memref<4x32x128xf32, #tpu.memory_space<vmem>>, vector<4x32x128xf32>
      %eq3A_443 = vector.broadcast %scan3A_429 : i32 to vector<4x256xi32>
      %eq3A_444 = arith.cmpi eq, %iota3A_6, %eq3A_443 : vector<4x256xi32>
      %jit3A_445 = arith.constant 0.000000e+00 : f32
      %broadcast_in_dim3A_446 = vector.broadcast %jit3A_445 : f32 to vector<4x256xf32>
      %select_n3A_447 = arith.select %eq3A_444, %select_n3A_335, %broadcast_in_dim3A_446 : vector<4x256xi1>, vector<4x256xf32>
      %reduce_sum3A_448 = arith.constant dense<0.000000e+00> : vector<4xf32>
      %reduce_sum3A_449 = vector.multi_reduction <add>, %select_n3A_447, %reduce_sum3A_448 [1] : vector<4x256xf32> to vector<4xf32>
      %broadcast_in_dim3A_450 = vector.shape_cast %reduce_sum3A_449 : vector<4xf32> to vector<4x1xf32>
      %jit3A_451 = arith.constant 0.000000e+00 : f32
      %broadcast_in_dim3A_452 = vector.broadcast %jit3A_451 : f32 to vector<4x256xf32>
      %select_n3A_453 = arith.select %eq3A_444, %select_n3A_342, %broadcast_in_dim3A_452 : vector<4x256xi1>, vector<4x256xf32>
      %reduce_sum3A_454 = arith.constant dense<0.000000e+00> : vector<4xf32>
      %reduce_sum3A_455 = vector.multi_reduction <add>, %select_n3A_453, %reduce_sum3A_454 [1] : vector<4x256xf32> to vector<4xf32>
      %broadcast_in_dim3A_456 = vector.shape_cast %reduce_sum3A_455 : vector<4xf32> to vector<4x1xf32>
      %jit3A_457 = arith.constant 0.000000e+00 : f32
      %broadcast_in_dim3A_458 = vector.broadcast %jit3A_457 : f32 to vector<4x256xf32>
      %select_n3A_459 = arith.select %eq3A_444, %select_n3A_349, %broadcast_in_dim3A_458 : vector<4x256xi1>, vector<4x256xf32>
      %reduce_sum3A_460 = arith.constant dense<0.000000e+00> : vector<4xf32>
      %reduce_sum3A_461 = vector.multi_reduction <add>, %select_n3A_459, %reduce_sum3A_460 [1] : vector<4x256xf32> to vector<4xf32>
      %broadcast_in_dim3A_462 = vector.shape_cast %reduce_sum3A_461 : vector<4xf32> to vector<4x1xf32>
      %mul3A_463 = arith.mulf %broadcast_in_dim3A_450, %broadcast_in_dim3A_450 : vector<4x1xf32>
      %mul3A_464 = arith.mulf %broadcast_in_dim3A_456, %broadcast_in_dim3A_456 : vector<4x1xf32>
      %add3A_465 = arith.addf %mul3A_463, %mul3A_464 : vector<4x1xf32>
      %mul3A_466 = arith.mulf %broadcast_in_dim3A_462, %broadcast_in_dim3A_462 : vector<4x1xf32>
      %add3A_467 = arith.addf %add3A_465, %mul3A_466 : vector<4x1xf32>
      %broadcast_in_dim3A_468 = vector.shape_cast %add3A_467 : vector<4x1xf32> to vector<4x1x1xf32>
      %mul3A_469 = arith.mulf %get3A_434, %get3A_434 : vector<4x32x128xf32>
      %mul3A_470 = arith.mulf %get3A_438, %get3A_438 : vector<4x32x128xf32>
      %add3A_471 = arith.addf %mul3A_469, %mul3A_470 : vector<4x32x128xf32>
      %mul3A_472 = arith.mulf %get3A_442, %get3A_442 : vector<4x32x128xf32>
      %add3A_473 = arith.addf %add3A_471, %mul3A_472 : vector<4x32x128xf32>
      %broadcast_in_dim3A_474 = vector.shape_cast %broadcast_in_dim3A_450 : vector<4x1xf32> to vector<4x1x1xf32>
      %mul3A_475 = vector.broadcast %broadcast_in_dim3A_474 : vector<4x1x1xf32> to vector<4x32x128xf32>
      %mul3A_476 = arith.mulf %mul3A_475, %get3A_434 : vector<4x32x128xf32>
      %broadcast_in_dim3A_477 = vector.shape_cast %broadcast_in_dim3A_456 : vector<4x1xf32> to vector<4x1x1xf32>
      %mul3A_478 = vector.broadcast %broadcast_in_dim3A_477 : vector<4x1x1xf32> to vector<4x32x128xf32>
      %mul3A_479 = arith.mulf %mul3A_478, %get3A_438 : vector<4x32x128xf32>
      %add3A_480 = arith.addf %mul3A_476, %mul3A_479 : vector<4x32x128xf32>
      %broadcast_in_dim3A_481 = vector.shape_cast %broadcast_in_dim3A_462 : vector<4x1xf32> to vector<4x1x1xf32>
      %mul3A_482 = vector.broadcast %broadcast_in_dim3A_481 : vector<4x1x1xf32> to vector<4x32x128xf32>
      %mul3A_483 = arith.mulf %mul3A_482, %get3A_442 : vector<4x32x128xf32>
      %add3A_484 = arith.addf %add3A_480, %mul3A_483 : vector<4x32x128xf32>
      %add3A_485 = vector.broadcast %broadcast_in_dim3A_468 : vector<4x1x1xf32> to vector<4x32x128xf32>
      %add3A_486 = arith.addf %add3A_485, %add3A_473 : vector<4x32x128xf32>
      %mul3A_487 = arith.constant 2.000000e+00 : f32
      %mul3A_488 = vector.broadcast %mul3A_487 : f32 to vector<4x32x128xf32>
      %mul3A_489 = arith.mulf %mul3A_488, %add3A_484 : vector<4x32x128xf32>
      %sub3A_490 = arith.subf %add3A_486, %mul3A_489 : vector<4x32x128xf32>
      %max3A = arith.constant 0.000000e+00 : f32
      %max3A_491 = vector.broadcast %max3A : f32 to vector<4x32x128xf32>
      %max3A_492 = arith.maximumf %sub3A_490, %max3A_491 : vector<4x32x128xf32>
      %sqrt3A_493 = math.sqrt %max3A_492 : vector<4x32x128xf32>
      %lt3A = arith.constant 5.000000e-01 : f32
      %lt3A_494 = vector.broadcast %lt3A : f32 to vector<4x32x128xf32>
      %lt3A_495 = arith.cmpf olt, %sqrt3A_493, %lt3A_494 : vector<4x32x128xf32>
      %jit3A_496 = arith.constant 1.000000e+00 : f32
      %jit3A_497 = arith.constant 0.000000e+00 : f32
      %broadcast_in_dim3A_498 = vector.broadcast %jit3A_496 : f32 to vector<4x32x128xf32>
      %broadcast_in_dim3A_499 = vector.broadcast %jit3A_497 : f32 to vector<4x32x128xf32>
      %select_n3A_500 = arith.select %lt3A_495, %broadcast_in_dim3A_498, %broadcast_in_dim3A_499 : vector<4x32x128xi1>, vector<4x32x128xf32>
      %reduce_sum3A_501 = arith.constant dense<0.000000e+00> : vector<4xf32>
      %reduce_sum3A_502 = vector.multi_reduction <add>, %select_n3A_500, %reduce_sum3A_501 [1, 2] : vector<4x32x128xf32> to vector<4xf32>
      %broadcast_in_dim3A_503 = vector.shape_cast %reduce_sum3A_502 : vector<4xf32> to vector<4x1x1xf32>
      %eq3A_504 = vector.broadcast %scan3A_429 : i32 to vector<4x64xi32>
      %eq3A_505 = arith.cmpi eq, %iota3A_400, %eq3A_504 : vector<4x64xi32>
      %squeeze3A_506 = vector.shape_cast %broadcast_in_dim3A_503 : vector<4x1x1xf32> to vector<4x1xf32>
      %broadcast_in_dim3A_507 = vector.shape_cast %squeeze3A_506 : vector<4x1xf32> to vector<4x1xf32>
      %broadcast_in_dim3A_508 = vector.broadcast %broadcast_in_dim3A_507 : vector<4x1xf32> to vector<4x64xf32>
      %select_n3A_509 = arith.select %eq3A_505, %broadcast_in_dim3A_508, %scan3A_430 : vector<4x64xi1>, vector<4x64xf32>
      scf.yield %select_n3A_509 : vector<4x64xf32>
    }
    %scan3A_408 = arith.constant 64 : i32
    %div3A_409 = arith.constant 4.096000e+03 : f32
    %div3A_410 = vector.broadcast %div3A_409 : f32 to vector<4x64xf32>
    %div3A_411 = arith.divf %scan3A_407, %div3A_410 : vector<4x64xf32>
    %mul3A_412 = arith.constant 0.949999988 : f32
    %mul3A_413 = vector.broadcast %mul3A_412 : f32 to vector<4x64xf32>
    %mul3A_414 = arith.mulf %div3A_411, %mul3A_413 : vector<4x64xf32>
    %add3A_415 = arith.constant 1.000000e+00 : f32
    %add3A_416 = vector.broadcast %add3A_415 : f32 to vector<4x64xf32>
    %add3A_417 = arith.addf %add3A_416, %mul3A_414 : vector<4x64xf32>
    %swap3A_418 = arith.constant 0 : index
    %swap3A_419 = arith.constant 0 : index
    %swap3A_420 = vector.load %arg5[%swap3A_418, %swap3A_419] : memref<4x64xf32, #tpu.memory_space<vmem>>, vector<4x64xf32>
    tpu.vector_store %arg5[%swap3A_418, %swap3A_419], %add3A_417 {strides = array<i32>} : memref<4x64xf32, #tpu.memory_space<vmem>>, vector<4x64xf32>,
    %iota3A_421 = tpu.iota {dimensions = array<i32: 0>} : vector<4x256xi32>
    %mul3A_422 = arith.constant 4096 : i32
    %mul3A_423 = vector.broadcast %mul3A_422 : i32 to vector<4x256xi32>
    %mul3A_424 = arith.muli %mul3A_423, %iota3A_421 : vector<4x256xi32>
    %add3A_425 = arith.addi %select_n3A_291, %mul3A_424 : vector<4x256xi32>
    %swap3A_426 = arith.constant 0 : index
    %swap3A_427 = arith.constant 0 : index
    %swap3A_428 = vector.load %arg3[%swap3A_426, %swap3A_427] : memref<4x256xi32, #tpu.memory_space<vmem>>, vector<4x256xi32>
    tpu.vector_store %arg3[%swap3A_426, %swap3A_427], %add3A_425 {strides = array<i32>} : memref<4x256xi32, #tpu.memory_space<vmem>>, vector<4x256xi32>,
    return
  }
}

module attributes {stable_mosaic.version = 14 : i64} {
  func.func @_main_body(%arg0: memref<1024x768xf32, #tpu.memory_space<vmem>>, %arg1: memref<256x4xf32, #tpu.memory_space<vmem>>, %arg2: memref<64x4xf32, #tpu.memory_space<vmem>>, %arg3: memref<128x4xf32, #tpu.memory_space<vmem>>, %arg4: memref<256x768xf32, #tpu.memory_space<vmem>>, %arg5: memref<1x256xf32, #tpu.memory_space<vmem>>, %arg6: memref<16x256xf32, #tpu.memory_space<vmem>>, %arg7: memref<1x16xf32, #tpu.memory_space<vmem>>, %arg8: memref<128x768xf32, #tpu.memory_space<vmem>>, %arg9: memref<1x128xf32, #tpu.memory_space<vmem>>, %arg10: memref<16x128xf32, #tpu.memory_space<vmem>>, %arg11: memref<1x16xf32, #tpu.memory_space<vmem>>, %arg12: memref<64x768xf32, #tpu.memory_space<vmem>>, %arg13: memref<1x64xf32, #tpu.memory_space<vmem>>, %arg14: memref<8x64xf32, #tpu.memory_space<vmem>>, %arg15: memref<1x8xf32, #tpu.memory_space<vmem>>, %arg16: memref<384x768xf32, #tpu.memory_space<vmem>>, %arg17: memref<1x384xf32, #tpu.memory_space<vmem>>, %arg18: memref<768x384xf32, #tpu.memory_space<vmem>>, %arg19: memref<1x768xf32, #tpu.memory_space<vmem>>, %arg20: memref<1x768xf32, #tpu.memory_space<vmem>>, %arg21: memref<1x768xf32, #tpu.memory_space<vmem>>, %arg22: memref<16x768xf32, #tpu.memory_space<vmem>>, %arg23: memref<768x16xf32, #tpu.memory_space<vmem>>, %arg24: memref<1x768xf32, #tpu.memory_space<vmem>>, %arg25: memref<16x768xf32, #tpu.memory_space<vmem>>, %arg26: memref<768x16xf32, #tpu.memory_space<vmem>>, %arg27: memref<1x768xf32, #tpu.memory_space<vmem>>, %arg28: memref<16x768xf32, #tpu.memory_space<vmem>>, %arg29: memref<768x16xf32, #tpu.memory_space<vmem>>, %arg30: memref<1x768xf32, #tpu.memory_space<vmem>>, %arg31: memref<640x768xf32, #tpu.memory_space<vmem>>, %arg32: memref<160x768xf32, #tpu.memory_space<vmem>>) attributes {dimension_semantics = [], scalar_prefetch = 0 : i64, scratch_operands = 1 : i64, tpu.core_type = #tpu.core_type<tc>} {
    %get3A = arith.constant 0 : index
    %get3A_0 = arith.constant 0 : index
    %get3A_1 = vector.load %arg0[%get3A, %get3A_0] : memref<1024x768xf32, #tpu.memory_space<vmem>>, vector<256x768xf32>
    %get3A_2 = arith.constant 0 : index
    %get3A_3 = arith.constant 0 : index
    %get3A_4 = vector.load %arg4[%get3A_2, %get3A_3] : memref<256x768xf32, #tpu.memory_space<vmem>>, vector<256x768xf32>
    %dot_general3A = arith.constant dense<0.000000e+00> : vector<256x256xf32>
    %dot_general3A_5 = tpu.matmul %get3A_1, %get3A_4, %dot_general3A {dimension_numbers = #tpu.dot_dimension_numbers<[1], [1], [0], [0], [0, 0, 1, 0], [], []>, transpose_lhs_hint = false} : vector<256x768xf32>, vector<256x768xf32>, vector<256x256xf32> -> vector<256x256xf32>
    %get3A_6 = arith.constant 0 : index
    %get3A_7 = arith.constant 0 : index
    %get3A_8 = vector.load %arg5[%get3A_6, %get3A_7] : memref<1x256xf32, #tpu.memory_space<vmem>>, vector<1x256xf32>
    %add3A = vector.broadcast %get3A_8 : vector<1x256xf32> to vector<256x256xf32>
    %add3A_9 = arith.addf %dot_general3A_5, %add3A : vector<256x256xf32>
    %max3A = arith.constant 0.000000e+00 : f32
    %max3A_10 = vector.broadcast %max3A : f32 to vector<256x256xf32>
    %max3A_11 = arith.maximumf %add3A_9, %max3A_10 : vector<256x256xf32>
    %get3A_12 = arith.constant 0 : index
    %get3A_13 = arith.constant 0 : index
    %get3A_14 = vector.load %arg6[%get3A_12, %get3A_13] : memref<16x256xf32, #tpu.memory_space<vmem>>, vector<16x256xf32>
    %dot_general3A_15 = arith.constant dense<0.000000e+00> : vector<256x16xf32>
    %dot_general3A_16 = tpu.matmul %max3A_11, %get3A_14, %dot_general3A_15 {dimension_numbers = #tpu.dot_dimension_numbers<[1], [1], [0], [0], [0, 0, 1, 0], [], []>, transpose_lhs_hint = false} : vector<256x256xf32>, vector<16x256xf32>, vector<256x16xf32> -> vector<256x16xf32>
    %get3A_17 = arith.constant 0 : index
    %get3A_18 = arith.constant 0 : index
    %get3A_19 = vector.load %arg7[%get3A_17, %get3A_18] : memref<1x16xf32, #tpu.memory_space<vmem>>, vector<1x16xf32>
    %add3A_20 = vector.broadcast %get3A_19 : vector<1x16xf32> to vector<256x16xf32>
    %add3A_21 = arith.addf %dot_general3A_16, %add3A_20 : vector<256x16xf32>
    %logistic3A = arith.negf %add3A_21 : vector<256x16xf32>
    %logistic3A_22 = math.exp %logistic3A : vector<256x16xf32>
    %logistic3A_23 = arith.constant 1.000000e+00 : f32
    %logistic3A_24 = vector.broadcast %logistic3A_23 : f32 to vector<256x16xf32>
    %logistic3A_25 = arith.addf %logistic3A_24, %logistic3A_22 : vector<256x16xf32>
    %logistic3A_26 = arith.divf %logistic3A_24, %logistic3A_25 : vector<256x16xf32>
    %get3A_27 = arith.constant 0 : index
    %get3A_28 = arith.constant 0 : index
    %get3A_29 = vector.load %arg1[%get3A_27, %get3A_28] : memref<256x4xf32, #tpu.memory_space<vmem>>, vector<256x1xf32>
    %mul3A = vector.broadcast %get3A_29 : vector<256x1xf32> to vector<256x16xf32>
    %mul3A_30 = arith.mulf %logistic3A_26, %mul3A : vector<256x16xf32>
    %reduce_sum3A = arith.constant dense<0.000000e+00> : vector<256xf32>
    %reduce_sum3A_31 = vector.multi_reduction <add>, %mul3A_30, %reduce_sum3A [1] : vector<256x16xf32> to vector<256xf32>
    %broadcast_in_dim3A = vector.shape_cast %reduce_sum3A_31 : vector<256xf32> to vector<256x1xf32>
    %div3A = arith.constant 1.600000e+01 : f32
    %div3A_32 = vector.broadcast %div3A : f32 to vector<256x1xf32>
    %div3A_33 = arith.divf %broadcast_in_dim3A, %div3A_32 : vector<256x1xf32>
    %iota3A = tpu.iota {dimensions = array<i32: 0>} : vector<256x1xi32>
    %scan3A = arith.constant 0xFF800000 : f32
    %scan3A_34 = arith.constant 0 : i32
    %scan3A_35 = arith.constant 16 : i32
    %scan3A_36 = arith.addi %scan3A_34, %scan3A_35 : i32
    %scan3A_37 = arith.constant 1 : i32
    %scan3A_38 = scf.for %scan3A_722 = %scan3A_34 to %scan3A_36 step %scan3A_37 iter_args(%scan3A_723 = %div3A_33) -> (vector<256x1xf32>)  : i32 {
      %reduce_max3A = vector.shape_cast %scan3A_723 : vector<256x1xf32> to vector<1x256x1xf32>
      %reduce_max3A_724 = arith.constant dense<0xFF800000> : vector<1xf32>
      %reduce_max3A_725 = vector.multi_reduction <maximumf>, %reduce_max3A, %reduce_max3A_724 [1, 2] : vector<1x256x1xf32> to vector<1xf32>
      %reduce_max3A_726 = vector.shape_cast %reduce_max3A_725 : vector<1xf32> to vector<1x1x1xf32>
      %reduce_max3A_727 = vector.extract %reduce_max3A_726[0, 0, 0] : f32 from vector<1x1x1xf32>
      %eq3A = vector.broadcast %reduce_max3A_727 : f32 to vector<256x1xf32>
      %eq3A_728 = arith.cmpf oeq, %scan3A_723, %eq3A : vector<256x1xf32>
      %jit3A = arith.constant 256 : i32
      %broadcast_in_dim3A_729 = vector.broadcast %jit3A : i32 to vector<256x1xi32>
      %select_n3A = arith.select %eq3A_728, %iota3A, %broadcast_in_dim3A_729 : vector<256x1xi1>, vector<256x1xi32>
      %reduce_min3A = vector.shape_cast %select_n3A : vector<256x1xi32> to vector<1x256x1xi32>
      %reduce_min3A_730 = arith.constant dense<2147483647> : vector<1xi32>
      %reduce_min3A_731 = vector.multi_reduction <minsi>, %reduce_min3A, %reduce_min3A_730 [1, 2] : vector<1x256x1xi32> to vector<1xi32>
      %reduce_min3A_732 = vector.shape_cast %reduce_min3A_731 : vector<1xi32> to vector<1x1x1xi32>
      %reduce_min3A_733 = vector.extract %reduce_min3A_732[0, 0, 0] : i32 from vector<1x1x1xi32>
      %add3A_734 = arith.constant 0 : i32
      %add3A_735 = arith.addi %add3A_734, %reduce_min3A_733 : i32
      %get3A_736 = arith.index_cast %add3A_735 : i32 to index
      %get3A_737 = arith.constant 0 : index
      %get3A_738 = vector.load %arg0[%get3A_736, %get3A_737] : memref<1024x768xf32, #tpu.memory_space<vmem>>, vector<1x768xf32>
      %add3A_739 = arith.constant 0 : i32
      %add3A_740 = arith.addi %add3A_739, %scan3A_722 : i32
      %swap3A_741 = arith.index_cast %add3A_740 : i32 to index
      %swap3A_742 = arith.constant 0 : index
      %swap3A_743 = vector.load %arg32[%swap3A_741, %swap3A_742] : memref<160x768xf32, #tpu.memory_space<vmem>>, vector<1x768xf32>
      tpu.vector_store %arg32[%swap3A_741, %swap3A_742], %get3A_738 {strides = array<i32>} : memref<160x768xf32, #tpu.memory_space<vmem>>, vector<1x768xf32>,
      %eq3A_744 = vector.broadcast %reduce_min3A_733 : i32 to vector<256x1xi32>
      %eq3A_745 = arith.cmpi eq, %iota3A, %eq3A_744 : vector<256x1xi32>
      %broadcast_in_dim3A_746 = vector.broadcast %scan3A : f32 to vector<256x1xf32>
      %select_n3A_747 = arith.select %eq3A_745, %broadcast_in_dim3A_746, %scan3A_723 : vector<256x1xi1>, vector<256x1xf32>
      scf.yield %select_n3A_747 : vector<256x1xf32>
    }
    %scan3A_39 = arith.constant 16 : i32
    %get3A_40 = arith.constant 0 : index
    %get3A_41 = arith.constant 0 : index
    %get3A_42 = vector.load %arg0[%get3A_40, %get3A_41] : memref<1024x768xf32, #tpu.memory_space<vmem>>, vector<128x768xf32>
    %get3A_43 = arith.constant 0 : index
    %get3A_44 = arith.constant 0 : index
    %get3A_45 = vector.load %arg8[%get3A_43, %get3A_44] : memref<128x768xf32, #tpu.memory_space<vmem>>, vector<128x768xf32>
    %dot_general3A_46 = arith.constant dense<0.000000e+00> : vector<128x128xf32>
    %dot_general3A_47 = tpu.matmul %get3A_42, %get3A_45, %dot_general3A_46 {dimension_numbers = #tpu.dot_dimension_numbers<[1], [1], [0], [0], [0, 0, 1, 0], [], []>, transpose_lhs_hint = false} : vector<128x768xf32>, vector<128x768xf32>, vector<128x128xf32> -> vector<128x128xf32>
    %get3A_48 = arith.constant 0 : index
    %get3A_49 = arith.constant 0 : index
    %get3A_50 = vector.load %arg9[%get3A_48, %get3A_49] : memref<1x128xf32, #tpu.memory_space<vmem>>, vector<1x128xf32>
    %add3A_51 = vector.broadcast %get3A_50 : vector<1x128xf32> to vector<128x128xf32>
    %add3A_52 = arith.addf %dot_general3A_47, %add3A_51 : vector<128x128xf32>
    %max3A_53 = arith.constant 0.000000e+00 : f32
    %max3A_54 = vector.broadcast %max3A_53 : f32 to vector<128x128xf32>
    %max3A_55 = arith.maximumf %add3A_52, %max3A_54 : vector<128x128xf32>
    %get3A_56 = arith.constant 0 : index
    %get3A_57 = arith.constant 0 : index
    %get3A_58 = vector.load %arg10[%get3A_56, %get3A_57] : memref<16x128xf32, #tpu.memory_space<vmem>>, vector<16x128xf32>
    %dot_general3A_59 = arith.constant dense<0.000000e+00> : vector<128x16xf32>
    %dot_general3A_60 = tpu.matmul %max3A_55, %get3A_58, %dot_general3A_59 {dimension_numbers = #tpu.dot_dimension_numbers<[1], [1], [0], [0], [0, 0, 1, 0], [], []>, transpose_lhs_hint = false} : vector<128x128xf32>, vector<16x128xf32>, vector<128x16xf32> -> vector<128x16xf32>
    %get3A_61 = arith.constant 0 : index
    %get3A_62 = arith.constant 0 : index
    %get3A_63 = vector.load %arg11[%get3A_61, %get3A_62] : memref<1x16xf32, #tpu.memory_space<vmem>>, vector<1x16xf32>
    %add3A_64 = vector.broadcast %get3A_63 : vector<1x16xf32> to vector<128x16xf32>
    %add3A_65 = arith.addf %dot_general3A_60, %add3A_64 : vector<128x16xf32>
    %logistic3A_66 = arith.negf %add3A_65 : vector<128x16xf32>
    %logistic3A_67 = math.exp %logistic3A_66 : vector<128x16xf32>
    %logistic3A_68 = arith.constant 1.000000e+00 : f32
    %logistic3A_69 = vector.broadcast %logistic3A_68 : f32 to vector<128x16xf32>
    %logistic3A_70 = arith.addf %logistic3A_69, %logistic3A_67 : vector<128x16xf32>
    %logistic3A_71 = arith.divf %logistic3A_69, %logistic3A_70 : vector<128x16xf32>
    %get3A_72 = arith.constant 0 : index
    %get3A_73 = arith.constant 0 : index
    %get3A_74 = vector.load %arg3[%get3A_72, %get3A_73] : memref<128x4xf32, #tpu.memory_space<vmem>>, vector<128x1xf32>
    %mul3A_75 = vector.broadcast %get3A_74 : vector<128x1xf32> to vector<128x16xf32>
    %mul3A_76 = arith.mulf %logistic3A_71, %mul3A_75 : vector<128x16xf32>
    %reduce_sum3A_77 = arith.constant dense<0.000000e+00> : vector<128xf32>
    %reduce_sum3A_78 = vector.multi_reduction <add>, %mul3A_76, %reduce_sum3A_77 [1] : vector<128x16xf32> to vector<128xf32>
    %broadcast_in_dim3A_79 = vector.shape_cast %reduce_sum3A_78 : vector<128xf32> to vector<128x1xf32>
    %div3A_80 = arith.constant 1.600000e+01 : f32
    %div3A_81 = vector.broadcast %div3A_80 : f32 to vector<128x1xf32>
    %div3A_82 = arith.divf %broadcast_in_dim3A_79, %div3A_81 : vector<128x1xf32>
    %iota3A_83 = tpu.iota {dimensions = array<i32: 0>} : vector<128x1xi32>
    %scan3A_84 = arith.constant 0xFF800000 : f32
    %scan3A_85 = arith.constant 0 : i32
    %scan3A_86 = arith.constant 16 : i32
    %scan3A_87 = arith.addi %scan3A_85, %scan3A_86 : i32
    %scan3A_88 = arith.constant 1 : i32
    %scan3A_89 = scf.for %scan3A_722 = %scan3A_85 to %scan3A_87 step %scan3A_88 iter_args(%scan3A_723 = %div3A_82) -> (vector<128x1xf32>)  : i32 {
      %reduce_max3A = vector.shape_cast %scan3A_723 : vector<128x1xf32> to vector<1x128x1xf32>
      %reduce_max3A_724 = arith.constant dense<0xFF800000> : vector<1xf32>
      %reduce_max3A_725 = vector.multi_reduction <maximumf>, %reduce_max3A, %reduce_max3A_724 [1, 2] : vector<1x128x1xf32> to vector<1xf32>
      %reduce_max3A_726 = vector.shape_cast %reduce_max3A_725 : vector<1xf32> to vector<1x1x1xf32>
      %reduce_max3A_727 = vector.extract %reduce_max3A_726[0, 0, 0] : f32 from vector<1x1x1xf32>
      %eq3A = vector.broadcast %reduce_max3A_727 : f32 to vector<128x1xf32>
      %eq3A_728 = arith.cmpf oeq, %scan3A_723, %eq3A : vector<128x1xf32>
      %jit3A = arith.constant 128 : i32
      %broadcast_in_dim3A_729 = vector.broadcast %jit3A : i32 to vector<128x1xi32>
      %select_n3A = arith.select %eq3A_728, %iota3A_83, %broadcast_in_dim3A_729 : vector<128x1xi1>, vector<128x1xi32>
      %reduce_min3A = vector.shape_cast %select_n3A : vector<128x1xi32> to vector<1x128x1xi32>
      %reduce_min3A_730 = arith.constant dense<2147483647> : vector<1xi32>
      %reduce_min3A_731 = vector.multi_reduction <minsi>, %reduce_min3A, %reduce_min3A_730 [1, 2] : vector<1x128x1xi32> to vector<1xi32>
      %reduce_min3A_732 = vector.shape_cast %reduce_min3A_731 : vector<1xi32> to vector<1x1x1xi32>
      %reduce_min3A_733 = vector.extract %reduce_min3A_732[0, 0, 0] : i32 from vector<1x1x1xi32>
      %add3A_734 = arith.constant 0 : i32
      %add3A_735 = arith.addi %add3A_734, %reduce_min3A_733 : i32
      %get3A_736 = arith.index_cast %add3A_735 : i32 to index
      %get3A_737 = arith.constant 0 : index
      %get3A_738 = vector.load %arg0[%get3A_736, %get3A_737] : memref<1024x768xf32, #tpu.memory_space<vmem>>, vector<1x768xf32>
      %add3A_739 = arith.constant 16 : i32
      %add3A_740 = arith.addi %add3A_739, %scan3A_722 : i32
      %swap3A_741 = arith.index_cast %add3A_740 : i32 to index
      %swap3A_742 = arith.constant 0 : index
      %swap3A_743 = vector.load %arg32[%swap3A_741, %swap3A_742] : memref<160x768xf32, #tpu.memory_space<vmem>>, vector<1x768xf32>
      tpu.vector_store %arg32[%swap3A_741, %swap3A_742], %get3A_738 {strides = array<i32>} : memref<160x768xf32, #tpu.memory_space<vmem>>, vector<1x768xf32>,
      %eq3A_744 = vector.broadcast %reduce_min3A_733 : i32 to vector<128x1xi32>
      %eq3A_745 = arith.cmpi eq, %iota3A_83, %eq3A_744 : vector<128x1xi32>
      %broadcast_in_dim3A_746 = vector.broadcast %scan3A_84 : f32 to vector<128x1xf32>
      %select_n3A_747 = arith.select %eq3A_745, %broadcast_in_dim3A_746, %scan3A_723 : vector<128x1xi1>, vector<128x1xf32>
      scf.yield %select_n3A_747 : vector<128x1xf32>
    }
    %scan3A_90 = arith.constant 16 : i32
    %get3A_91 = arith.constant 0 : index
    %get3A_92 = arith.constant 0 : index
    %get3A_93 = vector.load %arg0[%get3A_91, %get3A_92] : memref<1024x768xf32, #tpu.memory_space<vmem>>, vector<64x768xf32>
    %get3A_94 = arith.constant 0 : index
    %get3A_95 = arith.constant 0 : index
    %get3A_96 = vector.load %arg12[%get3A_94, %get3A_95] : memref<64x768xf32, #tpu.memory_space<vmem>>, vector<64x768xf32>
    %dot_general3A_97 = arith.constant dense<0.000000e+00> : vector<64x64xf32>
    %dot_general3A_98 = tpu.matmul %get3A_93, %get3A_96, %dot_general3A_97 {dimension_numbers = #tpu.dot_dimension_numbers<[1], [1], [0], [0], [0, 0, 1, 0], [], []>, transpose_lhs_hint = false} : vector<64x768xf32>, vector<64x768xf32>, vector<64x64xf32> -> vector<64x64xf32>
    %get3A_99 = arith.constant 0 : index
    %get3A_100 = arith.constant 0 : index
    %get3A_101 = vector.load %arg13[%get3A_99, %get3A_100] : memref<1x64xf32, #tpu.memory_space<vmem>>, vector<1x64xf32>
    %add3A_102 = vector.broadcast %get3A_101 : vector<1x64xf32> to vector<64x64xf32>
    %add3A_103 = arith.addf %dot_general3A_98, %add3A_102 : vector<64x64xf32>
    %max3A_104 = arith.constant 0.000000e+00 : f32
    %max3A_105 = vector.broadcast %max3A_104 : f32 to vector<64x64xf32>
    %max3A_106 = arith.maximumf %add3A_103, %max3A_105 : vector<64x64xf32>
    %get3A_107 = arith.constant 0 : index
    %get3A_108 = arith.constant 0 : index
    %get3A_109 = vector.load %arg14[%get3A_107, %get3A_108] : memref<8x64xf32, #tpu.memory_space<vmem>>, vector<8x64xf32>
    %dot_general3A_110 = arith.constant dense<0.000000e+00> : vector<64x8xf32>
    %dot_general3A_111 = tpu.matmul %max3A_106, %get3A_109, %dot_general3A_110 {dimension_numbers = #tpu.dot_dimension_numbers<[1], [1], [0], [0], [0, 0, 1, 0], [], []>, transpose_lhs_hint = false} : vector<64x64xf32>, vector<8x64xf32>, vector<64x8xf32> -> vector<64x8xf32>
    %get3A_112 = arith.constant 0 : index
    %get3A_113 = arith.constant 0 : index
    %get3A_114 = vector.load %arg15[%get3A_112, %get3A_113] : memref<1x8xf32, #tpu.memory_space<vmem>>, vector<1x8xf32>
    %add3A_115 = vector.broadcast %get3A_114 : vector<1x8xf32> to vector<64x8xf32>
    %add3A_116 = arith.addf %dot_general3A_111, %add3A_115 : vector<64x8xf32>
    %logistic3A_117 = arith.negf %add3A_116 : vector<64x8xf32>
    %logistic3A_118 = math.exp %logistic3A_117 : vector<64x8xf32>
    %logistic3A_119 = arith.constant 1.000000e+00 : f32
    %logistic3A_120 = vector.broadcast %logistic3A_119 : f32 to vector<64x8xf32>
    %logistic3A_121 = arith.addf %logistic3A_120, %logistic3A_118 : vector<64x8xf32>
    %logistic3A_122 = arith.divf %logistic3A_120, %logistic3A_121 : vector<64x8xf32>
    %get3A_123 = arith.constant 0 : index
    %get3A_124 = arith.constant 0 : index
    %get3A_125 = vector.load %arg2[%get3A_123, %get3A_124] : memref<64x4xf32, #tpu.memory_space<vmem>>, vector<64x1xf32>
    %mul3A_126 = vector.broadcast %get3A_125 : vector<64x1xf32> to vector<64x8xf32>
    %mul3A_127 = arith.mulf %logistic3A_122, %mul3A_126 : vector<64x8xf32>
    %reduce_sum3A_128 = arith.constant dense<0.000000e+00> : vector<64xf32>
    %reduce_sum3A_129 = vector.multi_reduction <add>, %mul3A_127, %reduce_sum3A_128 [1] : vector<64x8xf32> to vector<64xf32>
    %broadcast_in_dim3A_130 = vector.shape_cast %reduce_sum3A_129 : vector<64xf32> to vector<64x1xf32>
    %div3A_131 = arith.constant 8.000000e+00 : f32
    %div3A_132 = vector.broadcast %div3A_131 : f32 to vector<64x1xf32>
    %div3A_133 = arith.divf %broadcast_in_dim3A_130, %div3A_132 : vector<64x1xf32>
    %iota3A_134 = tpu.iota {dimensions = array<i32: 0>} : vector<64x1xi32>
    %scan3A_135 = arith.constant 0xFF800000 : f32
    %scan3A_136 = arith.constant 0 : i32
    %scan3A_137 = arith.constant 8 : i32
    %scan3A_138 = arith.addi %scan3A_136, %scan3A_137 : i32
    %scan3A_139 = arith.constant 1 : i32
    %scan3A_140 = scf.for %scan3A_722 = %scan3A_136 to %scan3A_138 step %scan3A_139 iter_args(%scan3A_723 = %div3A_133) -> (vector<64x1xf32>)  : i32 {
      %reduce_max3A = vector.shape_cast %scan3A_723 : vector<64x1xf32> to vector<1x64x1xf32>
      %reduce_max3A_724 = arith.constant dense<0xFF800000> : vector<1xf32>
      %reduce_max3A_725 = vector.multi_reduction <maximumf>, %reduce_max3A, %reduce_max3A_724 [1, 2] : vector<1x64x1xf32> to vector<1xf32>
      %reduce_max3A_726 = vector.shape_cast %reduce_max3A_725 : vector<1xf32> to vector<1x1x1xf32>
      %reduce_max3A_727 = vector.extract %reduce_max3A_726[0, 0, 0] : f32 from vector<1x1x1xf32>
      %eq3A = vector.broadcast %reduce_max3A_727 : f32 to vector<64x1xf32>
      %eq3A_728 = arith.cmpf oeq, %scan3A_723, %eq3A : vector<64x1xf32>
      %jit3A = arith.constant 64 : i32
      %broadcast_in_dim3A_729 = vector.broadcast %jit3A : i32 to vector<64x1xi32>
      %select_n3A = arith.select %eq3A_728, %iota3A_134, %broadcast_in_dim3A_729 : vector<64x1xi1>, vector<64x1xi32>
      %reduce_min3A = vector.shape_cast %select_n3A : vector<64x1xi32> to vector<1x64x1xi32>
      %reduce_min3A_730 = arith.constant dense<2147483647> : vector<1xi32>
      %reduce_min3A_731 = vector.multi_reduction <minsi>, %reduce_min3A, %reduce_min3A_730 [1, 2] : vector<1x64x1xi32> to vector<1xi32>
      %reduce_min3A_732 = vector.shape_cast %reduce_min3A_731 : vector<1xi32> to vector<1x1x1xi32>
      %reduce_min3A_733 = vector.extract %reduce_min3A_732[0, 0, 0] : i32 from vector<1x1x1xi32>
      %add3A_734 = arith.constant 0 : i32
      %add3A_735 = arith.addi %add3A_734, %reduce_min3A_733 : i32
      %get3A_736 = arith.index_cast %add3A_735 : i32 to index
      %get3A_737 = arith.constant 0 : index
      %get3A_738 = vector.load %arg0[%get3A_736, %get3A_737] : memref<1024x768xf32, #tpu.memory_space<vmem>>, vector<1x768xf32>
      %add3A_739 = arith.constant 32 : i32
      %add3A_740 = arith.addi %add3A_739, %scan3A_722 : i32
      %swap3A_741 = arith.index_cast %add3A_740 : i32 to index
      %swap3A_742 = arith.constant 0 : index
      %swap3A_743 = vector.load %arg32[%swap3A_741, %swap3A_742] : memref<160x768xf32, #tpu.memory_space<vmem>>, vector<1x768xf32>
      tpu.vector_store %arg32[%swap3A_741, %swap3A_742], %get3A_738 {strides = array<i32>} : memref<160x768xf32, #tpu.memory_space<vmem>>, vector<1x768xf32>,
      %eq3A_744 = vector.broadcast %reduce_min3A_733 : i32 to vector<64x1xi32>
      %eq3A_745 = arith.cmpi eq, %iota3A_134, %eq3A_744 : vector<64x1xi32>
      %broadcast_in_dim3A_746 = vector.broadcast %scan3A_135 : f32 to vector<64x1xf32>
      %select_n3A_747 = arith.select %eq3A_745, %broadcast_in_dim3A_746, %scan3A_723 : vector<64x1xi1>, vector<64x1xf32>
      scf.yield %select_n3A_747 : vector<64x1xf32>
    }
    %scan3A_141 = arith.constant 8 : i32
    %get3A_142 = arith.constant 256 : index
    %get3A_143 = arith.constant 0 : index
    %get3A_144 = vector.load %arg0[%get3A_142, %get3A_143] : memref<1024x768xf32, #tpu.memory_space<vmem>>, vector<256x768xf32>
    %get3A_145 = arith.constant 0 : index
    %get3A_146 = arith.constant 0 : index
    %get3A_147 = vector.load %arg4[%get3A_145, %get3A_146] : memref<256x768xf32, #tpu.memory_space<vmem>>, vector<256x768xf32>
    %dot_general3A_148 = arith.constant dense<0.000000e+00> : vector<256x256xf32>
    %dot_general3A_149 = tpu.matmul %get3A_144, %get3A_147, %dot_general3A_148 {dimension_numbers = #tpu.dot_dimension_numbers<[1], [1], [0], [0], [0, 0, 1, 0], [], []>, transpose_lhs_hint = false} : vector<256x768xf32>, vector<256x768xf32>, vector<256x256xf32> -> vector<256x256xf32>
    %get3A_150 = arith.constant 0 : index
    %get3A_151 = arith.constant 0 : index
    %get3A_152 = vector.load %arg5[%get3A_150, %get3A_151] : memref<1x256xf32, #tpu.memory_space<vmem>>, vector<1x256xf32>
    %add3A_153 = vector.broadcast %get3A_152 : vector<1x256xf32> to vector<256x256xf32>
    %add3A_154 = arith.addf %dot_general3A_149, %add3A_153 : vector<256x256xf32>
    %max3A_155 = arith.constant 0.000000e+00 : f32
    %max3A_156 = vector.broadcast %max3A_155 : f32 to vector<256x256xf32>
    %max3A_157 = arith.maximumf %add3A_154, %max3A_156 : vector<256x256xf32>
    %get3A_158 = arith.constant 0 : index
    %get3A_159 = arith.constant 0 : index
    %get3A_160 = vector.load %arg6[%get3A_158, %get3A_159] : memref<16x256xf32, #tpu.memory_space<vmem>>, vector<16x256xf32>
    %dot_general3A_161 = arith.constant dense<0.000000e+00> : vector<256x16xf32>
    %dot_general3A_162 = tpu.matmul %max3A_157, %get3A_160, %dot_general3A_161 {dimension_numbers = #tpu.dot_dimension_numbers<[1], [1], [0], [0], [0, 0, 1, 0], [], []>, transpose_lhs_hint = false} : vector<256x256xf32>, vector<16x256xf32>, vector<256x16xf32> -> vector<256x16xf32>
    %get3A_163 = arith.constant 0 : index
    %get3A_164 = arith.constant 0 : index
    %get3A_165 = vector.load %arg7[%get3A_163, %get3A_164] : memref<1x16xf32, #tpu.memory_space<vmem>>, vector<1x16xf32>
    %add3A_166 = vector.broadcast %get3A_165 : vector<1x16xf32> to vector<256x16xf32>
    %add3A_167 = arith.addf %dot_general3A_162, %add3A_166 : vector<256x16xf32>
    %logistic3A_168 = arith.negf %add3A_167 : vector<256x16xf32>
    %logistic3A_169 = math.exp %logistic3A_168 : vector<256x16xf32>
    %logistic3A_170 = arith.constant 1.000000e+00 : f32
    %logistic3A_171 = vector.broadcast %logistic3A_170 : f32 to vector<256x16xf32>
    %logistic3A_172 = arith.addf %logistic3A_171, %logistic3A_169 : vector<256x16xf32>
    %logistic3A_173 = arith.divf %logistic3A_171, %logistic3A_172 : vector<256x16xf32>
    %get3A_174 = arith.constant 0 : index
    %get3A_175 = arith.constant 1 : index
    %get3A_176 = vector.load %arg1[%get3A_174, %get3A_175] : memref<256x4xf32, #tpu.memory_space<vmem>>, vector<256x1xf32>
    %mul3A_177 = vector.broadcast %get3A_176 : vector<256x1xf32> to vector<256x16xf32>
    %mul3A_178 = arith.mulf %logistic3A_173, %mul3A_177 : vector<256x16xf32>
    %reduce_sum3A_179 = arith.constant dense<0.000000e+00> : vector<256xf32>
    %reduce_sum3A_180 = vector.multi_reduction <add>, %mul3A_178, %reduce_sum3A_179 [1] : vector<256x16xf32> to vector<256xf32>
    %broadcast_in_dim3A_181 = vector.shape_cast %reduce_sum3A_180 : vector<256xf32> to vector<256x1xf32>
    %div3A_182 = arith.constant 1.600000e+01 : f32
    %div3A_183 = vector.broadcast %div3A_182 : f32 to vector<256x1xf32>
    %div3A_184 = arith.divf %broadcast_in_dim3A_181, %div3A_183 : vector<256x1xf32>
    %iota3A_185 = tpu.iota {dimensions = array<i32: 0>} : vector<256x1xi32>
    %scan3A_186 = arith.constant 0xFF800000 : f32
    %scan3A_187 = arith.constant 0 : i32
    %scan3A_188 = arith.constant 16 : i32
    %scan3A_189 = arith.addi %scan3A_187, %scan3A_188 : i32
    %scan3A_190 = arith.constant 1 : i32
    %scan3A_191 = scf.for %scan3A_722 = %scan3A_187 to %scan3A_189 step %scan3A_190 iter_args(%scan3A_723 = %div3A_184) -> (vector<256x1xf32>)  : i32 {
      %reduce_max3A = vector.shape_cast %scan3A_723 : vector<256x1xf32> to vector<1x256x1xf32>
      %reduce_max3A_724 = arith.constant dense<0xFF800000> : vector<1xf32>
      %reduce_max3A_725 = vector.multi_reduction <maximumf>, %reduce_max3A, %reduce_max3A_724 [1, 2] : vector<1x256x1xf32> to vector<1xf32>
      %reduce_max3A_726 = vector.shape_cast %reduce_max3A_725 : vector<1xf32> to vector<1x1x1xf32>
      %reduce_max3A_727 = vector.extract %reduce_max3A_726[0, 0, 0] : f32 from vector<1x1x1xf32>
      %eq3A = vector.broadcast %reduce_max3A_727 : f32 to vector<256x1xf32>
      %eq3A_728 = arith.cmpf oeq, %scan3A_723, %eq3A : vector<256x1xf32>
      %jit3A = arith.constant 256 : i32
      %broadcast_in_dim3A_729 = vector.broadcast %jit3A : i32 to vector<256x1xi32>
      %select_n3A = arith.select %eq3A_728, %iota3A_185, %broadcast_in_dim3A_729 : vector<256x1xi1>, vector<256x1xi32>
      %reduce_min3A = vector.shape_cast %select_n3A : vector<256x1xi32> to vector<1x256x1xi32>
      %reduce_min3A_730 = arith.constant dense<2147483647> : vector<1xi32>
      %reduce_min3A_731 = vector.multi_reduction <minsi>, %reduce_min3A, %reduce_min3A_730 [1, 2] : vector<1x256x1xi32> to vector<1xi32>
      %reduce_min3A_732 = vector.shape_cast %reduce_min3A_731 : vector<1xi32> to vector<1x1x1xi32>
      %reduce_min3A_733 = vector.extract %reduce_min3A_732[0, 0, 0] : i32 from vector<1x1x1xi32>
      %add3A_734 = arith.constant 256 : i32
      %add3A_735 = arith.addi %add3A_734, %reduce_min3A_733 : i32
      %get3A_736 = arith.index_cast %add3A_735 : i32 to index
      %get3A_737 = arith.constant 0 : index
      %get3A_738 = vector.load %arg0[%get3A_736, %get3A_737] : memref<1024x768xf32, #tpu.memory_space<vmem>>, vector<1x768xf32>
      %add3A_739 = arith.constant 40 : i32
      %add3A_740 = arith.addi %add3A_739, %scan3A_722 : i32
      %swap3A_741 = arith.index_cast %add3A_740 : i32 to index
      %swap3A_742 = arith.constant 0 : index
      %swap3A_743 = vector.load %arg32[%swap3A_741, %swap3A_742] : memref<160x768xf32, #tpu.memory_space<vmem>>, vector<1x768xf32>
      tpu.vector_store %arg32[%swap3A_741, %swap3A_742], %get3A_738 {strides = array<i32>} : memref<160x768xf32, #tpu.memory_space<vmem>>, vector<1x768xf32>,
      %eq3A_744 = vector.broadcast %reduce_min3A_733 : i32 to vector<256x1xi32>
      %eq3A_745 = arith.cmpi eq, %iota3A_185, %eq3A_744 : vector<256x1xi32>
      %broadcast_in_dim3A_746 = vector.broadcast %scan3A_186 : f32 to vector<256x1xf32>
      %select_n3A_747 = arith.select %eq3A_745, %broadcast_in_dim3A_746, %scan3A_723 : vector<256x1xi1>, vector<256x1xf32>
      scf.yield %select_n3A_747 : vector<256x1xf32>
    }
    %scan3A_192 = arith.constant 16 : i32
    %get3A_193 = arith.constant 256 : index
    %get3A_194 = arith.constant 0 : index
    %get3A_195 = vector.load %arg0[%get3A_193, %get3A_194] : memref<1024x768xf32, #tpu.memory_space<vmem>>, vector<128x768xf32>
    %get3A_196 = arith.constant 0 : index
    %get3A_197 = arith.constant 0 : index
    %get3A_198 = vector.load %arg8[%get3A_196, %get3A_197] : memref<128x768xf32, #tpu.memory_space<vmem>>, vector<128x768xf32>
    %dot_general3A_199 = arith.constant dense<0.000000e+00> : vector<128x128xf32>
    %dot_general3A_200 = tpu.matmul %get3A_195, %get3A_198, %dot_general3A_199 {dimension_numbers = #tpu.dot_dimension_numbers<[1], [1], [0], [0], [0, 0, 1, 0], [], []>, transpose_lhs_hint = false} : vector<128x768xf32>, vector<128x768xf32>, vector<128x128xf32> -> vector<128x128xf32>
    %get3A_201 = arith.constant 0 : index
    %get3A_202 = arith.constant 0 : index
    %get3A_203 = vector.load %arg9[%get3A_201, %get3A_202] : memref<1x128xf32, #tpu.memory_space<vmem>>, vector<1x128xf32>
    %add3A_204 = vector.broadcast %get3A_203 : vector<1x128xf32> to vector<128x128xf32>
    %add3A_205 = arith.addf %dot_general3A_200, %add3A_204 : vector<128x128xf32>
    %max3A_206 = arith.constant 0.000000e+00 : f32
    %max3A_207 = vector.broadcast %max3A_206 : f32 to vector<128x128xf32>
    %max3A_208 = arith.maximumf %add3A_205, %max3A_207 : vector<128x128xf32>
    %get3A_209 = arith.constant 0 : index
    %get3A_210 = arith.constant 0 : index
    %get3A_211 = vector.load %arg10[%get3A_209, %get3A_210] : memref<16x128xf32, #tpu.memory_space<vmem>>, vector<16x128xf32>
    %dot_general3A_212 = arith.constant dense<0.000000e+00> : vector<128x16xf32>
    %dot_general3A_213 = tpu.matmul %max3A_208, %get3A_211, %dot_general3A_212 {dimension_numbers = #tpu.dot_dimension_numbers<[1], [1], [0], [0], [0, 0, 1, 0], [], []>, transpose_lhs_hint = false} : vector<128x128xf32>, vector<16x128xf32>, vector<128x16xf32> -> vector<128x16xf32>
    %get3A_214 = arith.constant 0 : index
    %get3A_215 = arith.constant 0 : index
    %get3A_216 = vector.load %arg11[%get3A_214, %get3A_215] : memref<1x16xf32, #tpu.memory_space<vmem>>, vector<1x16xf32>
    %add3A_217 = vector.broadcast %get3A_216 : vector<1x16xf32> to vector<128x16xf32>
    %add3A_218 = arith.addf %dot_general3A_213, %add3A_217 : vector<128x16xf32>
    %logistic3A_219 = arith.negf %add3A_218 : vector<128x16xf32>
    %logistic3A_220 = math.exp %logistic3A_219 : vector<128x16xf32>
    %logistic3A_221 = arith.constant 1.000000e+00 : f32
    %logistic3A_222 = vector.broadcast %logistic3A_221 : f32 to vector<128x16xf32>
    %logistic3A_223 = arith.addf %logistic3A_222, %logistic3A_220 : vector<128x16xf32>
    %logistic3A_224 = arith.divf %logistic3A_222, %logistic3A_223 : vector<128x16xf32>
    %get3A_225 = arith.constant 0 : index
    %get3A_226 = arith.constant 1 : index
    %get3A_227 = vector.load %arg3[%get3A_225, %get3A_226] : memref<128x4xf32, #tpu.memory_space<vmem>>, vector<128x1xf32>
    %mul3A_228 = vector.broadcast %get3A_227 : vector<128x1xf32> to vector<128x16xf32>
    %mul3A_229 = arith.mulf %logistic3A_224, %mul3A_228 : vector<128x16xf32>
    %reduce_sum3A_230 = arith.constant dense<0.000000e+00> : vector<128xf32>
    %reduce_sum3A_231 = vector.multi_reduction <add>, %mul3A_229, %reduce_sum3A_230 [1] : vector<128x16xf32> to vector<128xf32>
    %broadcast_in_dim3A_232 = vector.shape_cast %reduce_sum3A_231 : vector<128xf32> to vector<128x1xf32>
    %div3A_233 = arith.constant 1.600000e+01 : f32
    %div3A_234 = vector.broadcast %div3A_233 : f32 to vector<128x1xf32>
    %div3A_235 = arith.divf %broadcast_in_dim3A_232, %div3A_234 : vector<128x1xf32>
    %iota3A_236 = tpu.iota {dimensions = array<i32: 0>} : vector<128x1xi32>
    %scan3A_237 = arith.constant 0xFF800000 : f32
    %scan3A_238 = arith.constant 0 : i32
    %scan3A_239 = arith.constant 16 : i32
    %scan3A_240 = arith.addi %scan3A_238, %scan3A_239 : i32
    %scan3A_241 = arith.constant 1 : i32
    %scan3A_242 = scf.for %scan3A_722 = %scan3A_238 to %scan3A_240 step %scan3A_241 iter_args(%scan3A_723 = %div3A_235) -> (vector<128x1xf32>)  : i32 {
      %reduce_max3A = vector.shape_cast %scan3A_723 : vector<128x1xf32> to vector<1x128x1xf32>
      %reduce_max3A_724 = arith.constant dense<0xFF800000> : vector<1xf32>
      %reduce_max3A_725 = vector.multi_reduction <maximumf>, %reduce_max3A, %reduce_max3A_724 [1, 2] : vector<1x128x1xf32> to vector<1xf32>
      %reduce_max3A_726 = vector.shape_cast %reduce_max3A_725 : vector<1xf32> to vector<1x1x1xf32>
      %reduce_max3A_727 = vector.extract %reduce_max3A_726[0, 0, 0] : f32 from vector<1x1x1xf32>
      %eq3A = vector.broadcast %reduce_max3A_727 : f32 to vector<128x1xf32>
      %eq3A_728 = arith.cmpf oeq, %scan3A_723, %eq3A : vector<128x1xf32>
      %jit3A = arith.constant 128 : i32
      %broadcast_in_dim3A_729 = vector.broadcast %jit3A : i32 to vector<128x1xi32>
      %select_n3A = arith.select %eq3A_728, %iota3A_236, %broadcast_in_dim3A_729 : vector<128x1xi1>, vector<128x1xi32>
      %reduce_min3A = vector.shape_cast %select_n3A : vector<128x1xi32> to vector<1x128x1xi32>
      %reduce_min3A_730 = arith.constant dense<2147483647> : vector<1xi32>
      %reduce_min3A_731 = vector.multi_reduction <minsi>, %reduce_min3A, %reduce_min3A_730 [1, 2] : vector<1x128x1xi32> to vector<1xi32>
      %reduce_min3A_732 = vector.shape_cast %reduce_min3A_731 : vector<1xi32> to vector<1x1x1xi32>
      %reduce_min3A_733 = vector.extract %reduce_min3A_732[0, 0, 0] : i32 from vector<1x1x1xi32>
      %add3A_734 = arith.constant 256 : i32
      %add3A_735 = arith.addi %add3A_734, %reduce_min3A_733 : i32
      %get3A_736 = arith.index_cast %add3A_735 : i32 to index
      %get3A_737 = arith.constant 0 : index
      %get3A_738 = vector.load %arg0[%get3A_736, %get3A_737] : memref<1024x768xf32, #tpu.memory_space<vmem>>, vector<1x768xf32>
      %add3A_739 = arith.constant 56 : i32
      %add3A_740 = arith.addi %add3A_739, %scan3A_722 : i32
      %swap3A_741 = arith.index_cast %add3A_740 : i32 to index
      %swap3A_742 = arith.constant 0 : index
      %swap3A_743 = vector.load %arg32[%swap3A_741, %swap3A_742] : memref<160x768xf32, #tpu.memory_space<vmem>>, vector<1x768xf32>
      tpu.vector_store %arg32[%swap3A_741, %swap3A_742], %get3A_738 {strides = array<i32>} : memref<160x768xf32, #tpu.memory_space<vmem>>, vector<1x768xf32>,
      %eq3A_744 = vector.broadcast %reduce_min3A_733 : i32 to vector<128x1xi32>
      %eq3A_745 = arith.cmpi eq, %iota3A_236, %eq3A_744 : vector<128x1xi32>
      %broadcast_in_dim3A_746 = vector.broadcast %scan3A_237 : f32 to vector<128x1xf32>
      %select_n3A_747 = arith.select %eq3A_745, %broadcast_in_dim3A_746, %scan3A_723 : vector<128x1xi1>, vector<128x1xf32>
      scf.yield %select_n3A_747 : vector<128x1xf32>
    }
    %scan3A_243 = arith.constant 16 : i32
    %get3A_244 = arith.constant 256 : index
    %get3A_245 = arith.constant 0 : index
    %get3A_246 = vector.load %arg0[%get3A_244, %get3A_245] : memref<1024x768xf32, #tpu.memory_space<vmem>>, vector<64x768xf32>
    %get3A_247 = arith.constant 0 : index
    %get3A_248 = arith.constant 0 : index
    %get3A_249 = vector.load %arg12[%get3A_247, %get3A_248] : memref<64x768xf32, #tpu.memory_space<vmem>>, vector<64x768xf32>
    %dot_general3A_250 = arith.constant dense<0.000000e+00> : vector<64x64xf32>
    %dot_general3A_251 = tpu.matmul %get3A_246, %get3A_249, %dot_general3A_250 {dimension_numbers = #tpu.dot_dimension_numbers<[1], [1], [0], [0], [0, 0, 1, 0], [], []>, transpose_lhs_hint = false} : vector<64x768xf32>, vector<64x768xf32>, vector<64x64xf32> -> vector<64x64xf32>
    %get3A_252 = arith.constant 0 : index
    %get3A_253 = arith.constant 0 : index
    %get3A_254 = vector.load %arg13[%get3A_252, %get3A_253] : memref<1x64xf32, #tpu.memory_space<vmem>>, vector<1x64xf32>
    %add3A_255 = vector.broadcast %get3A_254 : vector<1x64xf32> to vector<64x64xf32>
    %add3A_256 = arith.addf %dot_general3A_251, %add3A_255 : vector<64x64xf32>
    %max3A_257 = arith.constant 0.000000e+00 : f32
    %max3A_258 = vector.broadcast %max3A_257 : f32 to vector<64x64xf32>
    %max3A_259 = arith.maximumf %add3A_256, %max3A_258 : vector<64x64xf32>
    %get3A_260 = arith.constant 0 : index
    %get3A_261 = arith.constant 0 : index
    %get3A_262 = vector.load %arg14[%get3A_260, %get3A_261] : memref<8x64xf32, #tpu.memory_space<vmem>>, vector<8x64xf32>
    %dot_general3A_263 = arith.constant dense<0.000000e+00> : vector<64x8xf32>
    %dot_general3A_264 = tpu.matmul %max3A_259, %get3A_262, %dot_general3A_263 {dimension_numbers = #tpu.dot_dimension_numbers<[1], [1], [0], [0], [0, 0, 1, 0], [], []>, transpose_lhs_hint = false} : vector<64x64xf32>, vector<8x64xf32>, vector<64x8xf32> -> vector<64x8xf32>
    %get3A_265 = arith.constant 0 : index
    %get3A_266 = arith.constant 0 : index
    %get3A_267 = vector.load %arg15[%get3A_265, %get3A_266] : memref<1x8xf32, #tpu.memory_space<vmem>>, vector<1x8xf32>
    %add3A_268 = vector.broadcast %get3A_267 : vector<1x8xf32> to vector<64x8xf32>
    %add3A_269 = arith.addf %dot_general3A_264, %add3A_268 : vector<64x8xf32>
    %logistic3A_270 = arith.negf %add3A_269 : vector<64x8xf32>
    %logistic3A_271 = math.exp %logistic3A_270 : vector<64x8xf32>
    %logistic3A_272 = arith.constant 1.000000e+00 : f32
    %logistic3A_273 = vector.broadcast %logistic3A_272 : f32 to vector<64x8xf32>
    %logistic3A_274 = arith.addf %logistic3A_273, %logistic3A_271 : vector<64x8xf32>
    %logistic3A_275 = arith.divf %logistic3A_273, %logistic3A_274 : vector<64x8xf32>
    %get3A_276 = arith.constant 0 : index
    %get3A_277 = arith.constant 1 : index
    %get3A_278 = vector.load %arg2[%get3A_276, %get3A_277] : memref<64x4xf32, #tpu.memory_space<vmem>>, vector<64x1xf32>
    %mul3A_279 = vector.broadcast %get3A_278 : vector<64x1xf32> to vector<64x8xf32>
    %mul3A_280 = arith.mulf %logistic3A_275, %mul3A_279 : vector<64x8xf32>
    %reduce_sum3A_281 = arith.constant dense<0.000000e+00> : vector<64xf32>
    %reduce_sum3A_282 = vector.multi_reduction <add>, %mul3A_280, %reduce_sum3A_281 [1] : vector<64x8xf32> to vector<64xf32>
    %broadcast_in_dim3A_283 = vector.shape_cast %reduce_sum3A_282 : vector<64xf32> to vector<64x1xf32>
    %div3A_284 = arith.constant 8.000000e+00 : f32
    %div3A_285 = vector.broadcast %div3A_284 : f32 to vector<64x1xf32>
    %div3A_286 = arith.divf %broadcast_in_dim3A_283, %div3A_285 : vector<64x1xf32>
    %iota3A_287 = tpu.iota {dimensions = array<i32: 0>} : vector<64x1xi32>
    %scan3A_288 = arith.constant 0xFF800000 : f32
    %scan3A_289 = arith.constant 0 : i32
    %scan3A_290 = arith.constant 8 : i32
    %scan3A_291 = arith.addi %scan3A_289, %scan3A_290 : i32
    %scan3A_292 = arith.constant 1 : i32
    %scan3A_293 = scf.for %scan3A_722 = %scan3A_289 to %scan3A_291 step %scan3A_292 iter_args(%scan3A_723 = %div3A_286) -> (vector<64x1xf32>)  : i32 {
      %reduce_max3A = vector.shape_cast %scan3A_723 : vector<64x1xf32> to vector<1x64x1xf32>
      %reduce_max3A_724 = arith.constant dense<0xFF800000> : vector<1xf32>
      %reduce_max3A_725 = vector.multi_reduction <maximumf>, %reduce_max3A, %reduce_max3A_724 [1, 2] : vector<1x64x1xf32> to vector<1xf32>
      %reduce_max3A_726 = vector.shape_cast %reduce_max3A_725 : vector<1xf32> to vector<1x1x1xf32>
      %reduce_max3A_727 = vector.extract %reduce_max3A_726[0, 0, 0] : f32 from vector<1x1x1xf32>
      %eq3A = vector.broadcast %reduce_max3A_727 : f32 to vector<64x1xf32>
      %eq3A_728 = arith.cmpf oeq, %scan3A_723, %eq3A : vector<64x1xf32>
      %jit3A = arith.constant 64 : i32
      %broadcast_in_dim3A_729 = vector.broadcast %jit3A : i32 to vector<64x1xi32>
      %select_n3A = arith.select %eq3A_728, %iota3A_287, %broadcast_in_dim3A_729 : vector<64x1xi1>, vector<64x1xi32>
      %reduce_min3A = vector.shape_cast %select_n3A : vector<64x1xi32> to vector<1x64x1xi32>
      %reduce_min3A_730 = arith.constant dense<2147483647> : vector<1xi32>
      %reduce_min3A_731 = vector.multi_reduction <minsi>, %reduce_min3A, %reduce_min3A_730 [1, 2] : vector<1x64x1xi32> to vector<1xi32>
      %reduce_min3A_732 = vector.shape_cast %reduce_min3A_731 : vector<1xi32> to vector<1x1x1xi32>
      %reduce_min3A_733 = vector.extract %reduce_min3A_732[0, 0, 0] : i32 from vector<1x1x1xi32>
      %add3A_734 = arith.constant 256 : i32
      %add3A_735 = arith.addi %add3A_734, %reduce_min3A_733 : i32
      %get3A_736 = arith.index_cast %add3A_735 : i32 to index
      %get3A_737 = arith.constant 0 : index
      %get3A_738 = vector.load %arg0[%get3A_736, %get3A_737] : memref<1024x768xf32, #tpu.memory_space<vmem>>, vector<1x768xf32>
      %add3A_739 = arith.constant 72 : i32
      %add3A_740 = arith.addi %add3A_739, %scan3A_722 : i32
      %swap3A_741 = arith.index_cast %add3A_740 : i32 to index
      %swap3A_742 = arith.constant 0 : index
      %swap3A_743 = vector.load %arg32[%swap3A_741, %swap3A_742] : memref<160x768xf32, #tpu.memory_space<vmem>>, vector<1x768xf32>
      tpu.vector_store %arg32[%swap3A_741, %swap3A_742], %get3A_738 {strides = array<i32>} : memref<160x768xf32, #tpu.memory_space<vmem>>, vector<1x768xf32>,
      %eq3A_744 = vector.broadcast %reduce_min3A_733 : i32 to vector<64x1xi32>
      %eq3A_745 = arith.cmpi eq, %iota3A_287, %eq3A_744 : vector<64x1xi32>
      %broadcast_in_dim3A_746 = vector.broadcast %scan3A_288 : f32 to vector<64x1xf32>
      %select_n3A_747 = arith.select %eq3A_745, %broadcast_in_dim3A_746, %scan3A_723 : vector<64x1xi1>, vector<64x1xf32>
      scf.yield %select_n3A_747 : vector<64x1xf32>
    }
    %scan3A_294 = arith.constant 8 : i32
    %get3A_295 = arith.constant 512 : index
    %get3A_296 = arith.constant 0 : index
    %get3A_297 = vector.load %arg0[%get3A_295, %get3A_296] : memref<1024x768xf32, #tpu.memory_space<vmem>>, vector<256x768xf32>
    %get3A_298 = arith.constant 0 : index
    %get3A_299 = arith.constant 0 : index
    %get3A_300 = vector.load %arg4[%get3A_298, %get3A_299] : memref<256x768xf32, #tpu.memory_space<vmem>>, vector<256x768xf32>
    %dot_general3A_301 = arith.constant dense<0.000000e+00> : vector<256x256xf32>
    %dot_general3A_302 = tpu.matmul %get3A_297, %get3A_300, %dot_general3A_301 {dimension_numbers = #tpu.dot_dimension_numbers<[1], [1], [0], [0], [0, 0, 1, 0], [], []>, transpose_lhs_hint = false} : vector<256x768xf32>, vector<256x768xf32>, vector<256x256xf32> -> vector<256x256xf32>
    %get3A_303 = arith.constant 0 : index
    %get3A_304 = arith.constant 0 : index
    %get3A_305 = vector.load %arg5[%get3A_303, %get3A_304] : memref<1x256xf32, #tpu.memory_space<vmem>>, vector<1x256xf32>
    %add3A_306 = vector.broadcast %get3A_305 : vector<1x256xf32> to vector<256x256xf32>
    %add3A_307 = arith.addf %dot_general3A_302, %add3A_306 : vector<256x256xf32>
    %max3A_308 = arith.constant 0.000000e+00 : f32
    %max3A_309 = vector.broadcast %max3A_308 : f32 to vector<256x256xf32>
    %max3A_310 = arith.maximumf %add3A_307, %max3A_309 : vector<256x256xf32>
    %get3A_311 = arith.constant 0 : index
    %get3A_312 = arith.constant 0 : index
    %get3A_313 = vector.load %arg6[%get3A_311, %get3A_312] : memref<16x256xf32, #tpu.memory_space<vmem>>, vector<16x256xf32>
    %dot_general3A_314 = arith.constant dense<0.000000e+00> : vector<256x16xf32>
    %dot_general3A_315 = tpu.matmul %max3A_310, %get3A_313, %dot_general3A_314 {dimension_numbers = #tpu.dot_dimension_numbers<[1], [1], [0], [0], [0, 0, 1, 0], [], []>, transpose_lhs_hint = false} : vector<256x256xf32>, vector<16x256xf32>, vector<256x16xf32> -> vector<256x16xf32>
    %get3A_316 = arith.constant 0 : index
    %get3A_317 = arith.constant 0 : index
    %get3A_318 = vector.load %arg7[%get3A_316, %get3A_317] : memref<1x16xf32, #tpu.memory_space<vmem>>, vector<1x16xf32>
    %add3A_319 = vector.broadcast %get3A_318 : vector<1x16xf32> to vector<256x16xf32>
    %add3A_320 = arith.addf %dot_general3A_315, %add3A_319 : vector<256x16xf32>
    %logistic3A_321 = arith.negf %add3A_320 : vector<256x16xf32>
    %logistic3A_322 = math.exp %logistic3A_321 : vector<256x16xf32>
    %logistic3A_323 = arith.constant 1.000000e+00 : f32
    %logistic3A_324 = vector.broadcast %logistic3A_323 : f32 to vector<256x16xf32>
    %logistic3A_325 = arith.addf %logistic3A_324, %logistic3A_322 : vector<256x16xf32>
    %logistic3A_326 = arith.divf %logistic3A_324, %logistic3A_325 : vector<256x16xf32>
    %get3A_327 = arith.constant 0 : index
    %get3A_328 = arith.constant 2 : index
    %get3A_329 = vector.load %arg1[%get3A_327, %get3A_328] : memref<256x4xf32, #tpu.memory_space<vmem>>, vector<256x1xf32>
    %mul3A_330 = vector.broadcast %get3A_329 : vector<256x1xf32> to vector<256x16xf32>
    %mul3A_331 = arith.mulf %logistic3A_326, %mul3A_330 : vector<256x16xf32>
    %reduce_sum3A_332 = arith.constant dense<0.000000e+00> : vector<256xf32>
    %reduce_sum3A_333 = vector.multi_reduction <add>, %mul3A_331, %reduce_sum3A_332 [1] : vector<256x16xf32> to vector<256xf32>
    %broadcast_in_dim3A_334 = vector.shape_cast %reduce_sum3A_333 : vector<256xf32> to vector<256x1xf32>
    %div3A_335 = arith.constant 1.600000e+01 : f32
    %div3A_336 = vector.broadcast %div3A_335 : f32 to vector<256x1xf32>
    %div3A_337 = arith.divf %broadcast_in_dim3A_334, %div3A_336 : vector<256x1xf32>
    %iota3A_338 = tpu.iota {dimensions = array<i32: 0>} : vector<256x1xi32>
    %scan3A_339 = arith.constant 0xFF800000 : f32
    %scan3A_340 = arith.constant 0 : i32
    %scan3A_341 = arith.constant 16 : i32
    %scan3A_342 = arith.addi %scan3A_340, %scan3A_341 : i32
    %scan3A_343 = arith.constant 1 : i32
    %scan3A_344 = scf.for %scan3A_722 = %scan3A_340 to %scan3A_342 step %scan3A_343 iter_args(%scan3A_723 = %div3A_337) -> (vector<256x1xf32>)  : i32 {
      %reduce_max3A = vector.shape_cast %scan3A_723 : vector<256x1xf32> to vector<1x256x1xf32>
      %reduce_max3A_724 = arith.constant dense<0xFF800000> : vector<1xf32>
      %reduce_max3A_725 = vector.multi_reduction <maximumf>, %reduce_max3A, %reduce_max3A_724 [1, 2] : vector<1x256x1xf32> to vector<1xf32>
      %reduce_max3A_726 = vector.shape_cast %reduce_max3A_725 : vector<1xf32> to vector<1x1x1xf32>
      %reduce_max3A_727 = vector.extract %reduce_max3A_726[0, 0, 0] : f32 from vector<1x1x1xf32>
      %eq3A = vector.broadcast %reduce_max3A_727 : f32 to vector<256x1xf32>
      %eq3A_728 = arith.cmpf oeq, %scan3A_723, %eq3A : vector<256x1xf32>
      %jit3A = arith.constant 256 : i32
      %broadcast_in_dim3A_729 = vector.broadcast %jit3A : i32 to vector<256x1xi32>
      %select_n3A = arith.select %eq3A_728, %iota3A_338, %broadcast_in_dim3A_729 : vector<256x1xi1>, vector<256x1xi32>
      %reduce_min3A = vector.shape_cast %select_n3A : vector<256x1xi32> to vector<1x256x1xi32>
      %reduce_min3A_730 = arith.constant dense<2147483647> : vector<1xi32>
      %reduce_min3A_731 = vector.multi_reduction <minsi>, %reduce_min3A, %reduce_min3A_730 [1, 2] : vector<1x256x1xi32> to vector<1xi32>
      %reduce_min3A_732 = vector.shape_cast %reduce_min3A_731 : vector<1xi32> to vector<1x1x1xi32>
      %reduce_min3A_733 = vector.extract %reduce_min3A_732[0, 0, 0] : i32 from vector<1x1x1xi32>
      %add3A_734 = arith.constant 512 : i32
      %add3A_735 = arith.addi %add3A_734, %reduce_min3A_733 : i32
      %get3A_736 = arith.index_cast %add3A_735 : i32 to index
      %get3A_737 = arith.constant 0 : index
      %get3A_738 = vector.load %arg0[%get3A_736, %get3A_737] : memref<1024x768xf32, #tpu.memory_space<vmem>>, vector<1x768xf32>
      %add3A_739 = arith.constant 80 : i32
      %add3A_740 = arith.addi %add3A_739, %scan3A_722 : i32
      %swap3A_741 = arith.index_cast %add3A_740 : i32 to index
      %swap3A_742 = arith.constant 0 : index
      %swap3A_743 = vector.load %arg32[%swap3A_741, %swap3A_742] : memref<160x768xf32, #tpu.memory_space<vmem>>, vector<1x768xf32>
      tpu.vector_store %arg32[%swap3A_741, %swap3A_742], %get3A_738 {strides = array<i32>} : memref<160x768xf32, #tpu.memory_space<vmem>>, vector<1x768xf32>,
      %eq3A_744 = vector.broadcast %reduce_min3A_733 : i32 to vector<256x1xi32>
      %eq3A_745 = arith.cmpi eq, %iota3A_338, %eq3A_744 : vector<256x1xi32>
      %broadcast_in_dim3A_746 = vector.broadcast %scan3A_339 : f32 to vector<256x1xf32>
      %select_n3A_747 = arith.select %eq3A_745, %broadcast_in_dim3A_746, %scan3A_723 : vector<256x1xi1>, vector<256x1xf32>
      scf.yield %select_n3A_747 : vector<256x1xf32>
    }
    %scan3A_345 = arith.constant 16 : i32
    %get3A_346 = arith.constant 512 : index
    %get3A_347 = arith.constant 0 : index
    %get3A_348 = vector.load %arg0[%get3A_346, %get3A_347] : memref<1024x768xf32, #tpu.memory_space<vmem>>, vector<128x768xf32>
    %get3A_349 = arith.constant 0 : index
    %get3A_350 = arith.constant 0 : index
    %get3A_351 = vector.load %arg8[%get3A_349, %get3A_350] : memref<128x768xf32, #tpu.memory_space<vmem>>, vector<128x768xf32>
    %dot_general3A_352 = arith.constant dense<0.000000e+00> : vector<128x128xf32>
    %dot_general3A_353 = tpu.matmul %get3A_348, %get3A_351, %dot_general3A_352 {dimension_numbers = #tpu.dot_dimension_numbers<[1], [1], [0], [0], [0, 0, 1, 0], [], []>, transpose_lhs_hint = false} : vector<128x768xf32>, vector<128x768xf32>, vector<128x128xf32> -> vector<128x128xf32>
    %get3A_354 = arith.constant 0 : index
    %get3A_355 = arith.constant 0 : index
    %get3A_356 = vector.load %arg9[%get3A_354, %get3A_355] : memref<1x128xf32, #tpu.memory_space<vmem>>, vector<1x128xf32>
    %add3A_357 = vector.broadcast %get3A_356 : vector<1x128xf32> to vector<128x128xf32>
    %add3A_358 = arith.addf %dot_general3A_353, %add3A_357 : vector<128x128xf32>
    %max3A_359 = arith.constant 0.000000e+00 : f32
    %max3A_360 = vector.broadcast %max3A_359 : f32 to vector<128x128xf32>
    %max3A_361 = arith.maximumf %add3A_358, %max3A_360 : vector<128x128xf32>
    %get3A_362 = arith.constant 0 : index
    %get3A_363 = arith.constant 0 : index
    %get3A_364 = vector.load %arg10[%get3A_362, %get3A_363] : memref<16x128xf32, #tpu.memory_space<vmem>>, vector<16x128xf32>
    %dot_general3A_365 = arith.constant dense<0.000000e+00> : vector<128x16xf32>
    %dot_general3A_366 = tpu.matmul %max3A_361, %get3A_364, %dot_general3A_365 {dimension_numbers = #tpu.dot_dimension_numbers<[1], [1], [0], [0], [0, 0, 1, 0], [], []>, transpose_lhs_hint = false} : vector<128x128xf32>, vector<16x128xf32>, vector<128x16xf32> -> vector<128x16xf32>
    %get3A_367 = arith.constant 0 : index
    %get3A_368 = arith.constant 0 : index
    %get3A_369 = vector.load %arg11[%get3A_367, %get3A_368] : memref<1x16xf32, #tpu.memory_space<vmem>>, vector<1x16xf32>
    %add3A_370 = vector.broadcast %get3A_369 : vector<1x16xf32> to vector<128x16xf32>
    %add3A_371 = arith.addf %dot_general3A_366, %add3A_370 : vector<128x16xf32>
    %logistic3A_372 = arith.negf %add3A_371 : vector<128x16xf32>
    %logistic3A_373 = math.exp %logistic3A_372 : vector<128x16xf32>
    %logistic3A_374 = arith.constant 1.000000e+00 : f32
    %logistic3A_375 = vector.broadcast %logistic3A_374 : f32 to vector<128x16xf32>
    %logistic3A_376 = arith.addf %logistic3A_375, %logistic3A_373 : vector<128x16xf32>
    %logistic3A_377 = arith.divf %logistic3A_375, %logistic3A_376 : vector<128x16xf32>
    %get3A_378 = arith.constant 0 : index
    %get3A_379 = arith.constant 2 : index
    %get3A_380 = vector.load %arg3[%get3A_378, %get3A_379] : memref<128x4xf32, #tpu.memory_space<vmem>>, vector<128x1xf32>
    %mul3A_381 = vector.broadcast %get3A_380 : vector<128x1xf32> to vector<128x16xf32>
    %mul3A_382 = arith.mulf %logistic3A_377, %mul3A_381 : vector<128x16xf32>
    %reduce_sum3A_383 = arith.constant dense<0.000000e+00> : vector<128xf32>
    %reduce_sum3A_384 = vector.multi_reduction <add>, %mul3A_382, %reduce_sum3A_383 [1] : vector<128x16xf32> to vector<128xf32>
    %broadcast_in_dim3A_385 = vector.shape_cast %reduce_sum3A_384 : vector<128xf32> to vector<128x1xf32>
    %div3A_386 = arith.constant 1.600000e+01 : f32
    %div3A_387 = vector.broadcast %div3A_386 : f32 to vector<128x1xf32>
    %div3A_388 = arith.divf %broadcast_in_dim3A_385, %div3A_387 : vector<128x1xf32>
    %iota3A_389 = tpu.iota {dimensions = array<i32: 0>} : vector<128x1xi32>
    %scan3A_390 = arith.constant 0xFF800000 : f32
    %scan3A_391 = arith.constant 0 : i32
    %scan3A_392 = arith.constant 16 : i32
    %scan3A_393 = arith.addi %scan3A_391, %scan3A_392 : i32
    %scan3A_394 = arith.constant 1 : i32
    %scan3A_395 = scf.for %scan3A_722 = %scan3A_391 to %scan3A_393 step %scan3A_394 iter_args(%scan3A_723 = %div3A_388) -> (vector<128x1xf32>)  : i32 {
      %reduce_max3A = vector.shape_cast %scan3A_723 : vector<128x1xf32> to vector<1x128x1xf32>
      %reduce_max3A_724 = arith.constant dense<0xFF800000> : vector<1xf32>
      %reduce_max3A_725 = vector.multi_reduction <maximumf>, %reduce_max3A, %reduce_max3A_724 [1, 2] : vector<1x128x1xf32> to vector<1xf32>
      %reduce_max3A_726 = vector.shape_cast %reduce_max3A_725 : vector<1xf32> to vector<1x1x1xf32>
      %reduce_max3A_727 = vector.extract %reduce_max3A_726[0, 0, 0] : f32 from vector<1x1x1xf32>
      %eq3A = vector.broadcast %reduce_max3A_727 : f32 to vector<128x1xf32>
      %eq3A_728 = arith.cmpf oeq, %scan3A_723, %eq3A : vector<128x1xf32>
      %jit3A = arith.constant 128 : i32
      %broadcast_in_dim3A_729 = vector.broadcast %jit3A : i32 to vector<128x1xi32>
      %select_n3A = arith.select %eq3A_728, %iota3A_389, %broadcast_in_dim3A_729 : vector<128x1xi1>, vector<128x1xi32>
      %reduce_min3A = vector.shape_cast %select_n3A : vector<128x1xi32> to vector<1x128x1xi32>
      %reduce_min3A_730 = arith.constant dense<2147483647> : vector<1xi32>
      %reduce_min3A_731 = vector.multi_reduction <minsi>, %reduce_min3A, %reduce_min3A_730 [1, 2] : vector<1x128x1xi32> to vector<1xi32>
      %reduce_min3A_732 = vector.shape_cast %reduce_min3A_731 : vector<1xi32> to vector<1x1x1xi32>
      %reduce_min3A_733 = vector.extract %reduce_min3A_732[0, 0, 0] : i32 from vector<1x1x1xi32>
      %add3A_734 = arith.constant 512 : i32
      %add3A_735 = arith.addi %add3A_734, %reduce_min3A_733 : i32
      %get3A_736 = arith.index_cast %add3A_735 : i32 to index
      %get3A_737 = arith.constant 0 : index
      %get3A_738 = vector.load %arg0[%get3A_736, %get3A_737] : memref<1024x768xf32, #tpu.memory_space<vmem>>, vector<1x768xf32>
      %add3A_739 = arith.constant 96 : i32
      %add3A_740 = arith.addi %add3A_739, %scan3A_722 : i32
      %swap3A_741 = arith.index_cast %add3A_740 : i32 to index
      %swap3A_742 = arith.constant 0 : index
      %swap3A_743 = vector.load %arg32[%swap3A_741, %swap3A_742] : memref<160x768xf32, #tpu.memory_space<vmem>>, vector<1x768xf32>
      tpu.vector_store %arg32[%swap3A_741, %swap3A_742], %get3A_738 {strides = array<i32>} : memref<160x768xf32, #tpu.memory_space<vmem>>, vector<1x768xf32>,
      %eq3A_744 = vector.broadcast %reduce_min3A_733 : i32 to vector<128x1xi32>
      %eq3A_745 = arith.cmpi eq, %iota3A_389, %eq3A_744 : vector<128x1xi32>
      %broadcast_in_dim3A_746 = vector.broadcast %scan3A_390 : f32 to vector<128x1xf32>
      %select_n3A_747 = arith.select %eq3A_745, %broadcast_in_dim3A_746, %scan3A_723 : vector<128x1xi1>, vector<128x1xf32>
      scf.yield %select_n3A_747 : vector<128x1xf32>
    }
    %scan3A_396 = arith.constant 16 : i32
    %get3A_397 = arith.constant 512 : index
    %get3A_398 = arith.constant 0 : index
    %get3A_399 = vector.load %arg0[%get3A_397, %get3A_398] : memref<1024x768xf32, #tpu.memory_space<vmem>>, vector<64x768xf32>
    %get3A_400 = arith.constant 0 : index
    %get3A_401 = arith.constant 0 : index
    %get3A_402 = vector.load %arg12[%get3A_400, %get3A_401] : memref<64x768xf32, #tpu.memory_space<vmem>>, vector<64x768xf32>
    %dot_general3A_403 = arith.constant dense<0.000000e+00> : vector<64x64xf32>
    %dot_general3A_404 = tpu.matmul %get3A_399, %get3A_402, %dot_general3A_403 {dimension_numbers = #tpu.dot_dimension_numbers<[1], [1], [0], [0], [0, 0, 1, 0], [], []>, transpose_lhs_hint = false} : vector<64x768xf32>, vector<64x768xf32>, vector<64x64xf32> -> vector<64x64xf32>
    %get3A_405 = arith.constant 0 : index
    %get3A_406 = arith.constant 0 : index
    %get3A_407 = vector.load %arg13[%get3A_405, %get3A_406] : memref<1x64xf32, #tpu.memory_space<vmem>>, vector<1x64xf32>
    %add3A_408 = vector.broadcast %get3A_407 : vector<1x64xf32> to vector<64x64xf32>
    %add3A_409 = arith.addf %dot_general3A_404, %add3A_408 : vector<64x64xf32>
    %max3A_410 = arith.constant 0.000000e+00 : f32
    %max3A_411 = vector.broadcast %max3A_410 : f32 to vector<64x64xf32>
    %max3A_412 = arith.maximumf %add3A_409, %max3A_411 : vector<64x64xf32>
    %get3A_413 = arith.constant 0 : index
    %get3A_414 = arith.constant 0 : index
    %get3A_415 = vector.load %arg14[%get3A_413, %get3A_414] : memref<8x64xf32, #tpu.memory_space<vmem>>, vector<8x64xf32>
    %dot_general3A_416 = arith.constant dense<0.000000e+00> : vector<64x8xf32>
    %dot_general3A_417 = tpu.matmul %max3A_412, %get3A_415, %dot_general3A_416 {dimension_numbers = #tpu.dot_dimension_numbers<[1], [1], [0], [0], [0, 0, 1, 0], [], []>, transpose_lhs_hint = false} : vector<64x64xf32>, vector<8x64xf32>, vector<64x8xf32> -> vector<64x8xf32>
    %get3A_418 = arith.constant 0 : index
    %get3A_419 = arith.constant 0 : index
    %get3A_420 = vector.load %arg15[%get3A_418, %get3A_419] : memref<1x8xf32, #tpu.memory_space<vmem>>, vector<1x8xf32>
    %add3A_421 = vector.broadcast %get3A_420 : vector<1x8xf32> to vector<64x8xf32>
    %add3A_422 = arith.addf %dot_general3A_417, %add3A_421 : vector<64x8xf32>
    %logistic3A_423 = arith.negf %add3A_422 : vector<64x8xf32>
    %logistic3A_424 = math.exp %logistic3A_423 : vector<64x8xf32>
    %logistic3A_425 = arith.constant 1.000000e+00 : f32
    %logistic3A_426 = vector.broadcast %logistic3A_425 : f32 to vector<64x8xf32>
    %logistic3A_427 = arith.addf %logistic3A_426, %logistic3A_424 : vector<64x8xf32>
    %logistic3A_428 = arith.divf %logistic3A_426, %logistic3A_427 : vector<64x8xf32>
    %get3A_429 = arith.constant 0 : index
    %get3A_430 = arith.constant 2 : index
    %get3A_431 = vector.load %arg2[%get3A_429, %get3A_430] : memref<64x4xf32, #tpu.memory_space<vmem>>, vector<64x1xf32>
    %mul3A_432 = vector.broadcast %get3A_431 : vector<64x1xf32> to vector<64x8xf32>
    %mul3A_433 = arith.mulf %logistic3A_428, %mul3A_432 : vector<64x8xf32>
    %reduce_sum3A_434 = arith.constant dense<0.000000e+00> : vector<64xf32>
    %reduce_sum3A_435 = vector.multi_reduction <add>, %mul3A_433, %reduce_sum3A_434 [1] : vector<64x8xf32> to vector<64xf32>
    %broadcast_in_dim3A_436 = vector.shape_cast %reduce_sum3A_435 : vector<64xf32> to vector<64x1xf32>
    %div3A_437 = arith.constant 8.000000e+00 : f32
    %div3A_438 = vector.broadcast %div3A_437 : f32 to vector<64x1xf32>
    %div3A_439 = arith.divf %broadcast_in_dim3A_436, %div3A_438 : vector<64x1xf32>
    %iota3A_440 = tpu.iota {dimensions = array<i32: 0>} : vector<64x1xi32>
    %scan3A_441 = arith.constant 0xFF800000 : f32
    %scan3A_442 = arith.constant 0 : i32
    %scan3A_443 = arith.constant 8 : i32
    %scan3A_444 = arith.addi %scan3A_442, %scan3A_443 : i32
    %scan3A_445 = arith.constant 1 : i32
    %scan3A_446 = scf.for %scan3A_722 = %scan3A_442 to %scan3A_444 step %scan3A_445 iter_args(%scan3A_723 = %div3A_439) -> (vector<64x1xf32>)  : i32 {
      %reduce_max3A = vector.shape_cast %scan3A_723 : vector<64x1xf32> to vector<1x64x1xf32>
      %reduce_max3A_724 = arith.constant dense<0xFF800000> : vector<1xf32>
      %reduce_max3A_725 = vector.multi_reduction <maximumf>, %reduce_max3A, %reduce_max3A_724 [1, 2] : vector<1x64x1xf32> to vector<1xf32>
      %reduce_max3A_726 = vector.shape_cast %reduce_max3A_725 : vector<1xf32> to vector<1x1x1xf32>
      %reduce_max3A_727 = vector.extract %reduce_max3A_726[0, 0, 0] : f32 from vector<1x1x1xf32>
      %eq3A = vector.broadcast %reduce_max3A_727 : f32 to vector<64x1xf32>
      %eq3A_728 = arith.cmpf oeq, %scan3A_723, %eq3A : vector<64x1xf32>
      %jit3A = arith.constant 64 : i32
      %broadcast_in_dim3A_729 = vector.broadcast %jit3A : i32 to vector<64x1xi32>
      %select_n3A = arith.select %eq3A_728, %iota3A_440, %broadcast_in_dim3A_729 : vector<64x1xi1>, vector<64x1xi32>
      %reduce_min3A = vector.shape_cast %select_n3A : vector<64x1xi32> to vector<1x64x1xi32>
      %reduce_min3A_730 = arith.constant dense<2147483647> : vector<1xi32>
      %reduce_min3A_731 = vector.multi_reduction <minsi>, %reduce_min3A, %reduce_min3A_730 [1, 2] : vector<1x64x1xi32> to vector<1xi32>
      %reduce_min3A_732 = vector.shape_cast %reduce_min3A_731 : vector<1xi32> to vector<1x1x1xi32>
      %reduce_min3A_733 = vector.extract %reduce_min3A_732[0, 0, 0] : i32 from vector<1x1x1xi32>
      %add3A_734 = arith.constant 512 : i32
      %add3A_735 = arith.addi %add3A_734, %reduce_min3A_733 : i32
      %get3A_736 = arith.index_cast %add3A_735 : i32 to index
      %get3A_737 = arith.constant 0 : index
      %get3A_738 = vector.load %arg0[%get3A_736, %get3A_737] : memref<1024x768xf32, #tpu.memory_space<vmem>>, vector<1x768xf32>
      %add3A_739 = arith.constant 112 : i32
      %add3A_740 = arith.addi %add3A_739, %scan3A_722 : i32
      %swap3A_741 = arith.index_cast %add3A_740 : i32 to index
      %swap3A_742 = arith.constant 0 : index
      %swap3A_743 = vector.load %arg32[%swap3A_741, %swap3A_742] : memref<160x768xf32, #tpu.memory_space<vmem>>, vector<1x768xf32>
      tpu.vector_store %arg32[%swap3A_741, %swap3A_742], %get3A_738 {strides = array<i32>} : memref<160x768xf32, #tpu.memory_space<vmem>>, vector<1x768xf32>,
      %eq3A_744 = vector.broadcast %reduce_min3A_733 : i32 to vector<64x1xi32>
      %eq3A_745 = arith.cmpi eq, %iota3A_440, %eq3A_744 : vector<64x1xi32>
      %broadcast_in_dim3A_746 = vector.broadcast %scan3A_441 : f32 to vector<64x1xf32>
      %select_n3A_747 = arith.select %eq3A_745, %broadcast_in_dim3A_746, %scan3A_723 : vector<64x1xi1>, vector<64x1xf32>
      scf.yield %select_n3A_747 : vector<64x1xf32>
    }
    %scan3A_447 = arith.constant 8 : i32
    %get3A_448 = arith.constant 768 : index
    %get3A_449 = arith.constant 0 : index
    %get3A_450 = vector.load %arg0[%get3A_448, %get3A_449] : memref<1024x768xf32, #tpu.memory_space<vmem>>, vector<256x768xf32>
    %get3A_451 = arith.constant 0 : index
    %get3A_452 = arith.constant 0 : index
    %get3A_453 = vector.load %arg4[%get3A_451, %get3A_452] : memref<256x768xf32, #tpu.memory_space<vmem>>, vector<256x768xf32>
    %dot_general3A_454 = arith.constant dense<0.000000e+00> : vector<256x256xf32>
    %dot_general3A_455 = tpu.matmul %get3A_450, %get3A_453, %dot_general3A_454 {dimension_numbers = #tpu.dot_dimension_numbers<[1], [1], [0], [0], [0, 0, 1, 0], [], []>, transpose_lhs_hint = false} : vector<256x768xf32>, vector<256x768xf32>, vector<256x256xf32> -> vector<256x256xf32>
    %get3A_456 = arith.constant 0 : index
    %get3A_457 = arith.constant 0 : index
    %get3A_458 = vector.load %arg5[%get3A_456, %get3A_457] : memref<1x256xf32, #tpu.memory_space<vmem>>, vector<1x256xf32>
    %add3A_459 = vector.broadcast %get3A_458 : vector<1x256xf32> to vector<256x256xf32>
    %add3A_460 = arith.addf %dot_general3A_455, %add3A_459 : vector<256x256xf32>
    %max3A_461 = arith.constant 0.000000e+00 : f32
    %max3A_462 = vector.broadcast %max3A_461 : f32 to vector<256x256xf32>
    %max3A_463 = arith.maximumf %add3A_460, %max3A_462 : vector<256x256xf32>
    %get3A_464 = arith.constant 0 : index
    %get3A_465 = arith.constant 0 : index
    %get3A_466 = vector.load %arg6[%get3A_464, %get3A_465] : memref<16x256xf32, #tpu.memory_space<vmem>>, vector<16x256xf32>
    %dot_general3A_467 = arith.constant dense<0.000000e+00> : vector<256x16xf32>
    %dot_general3A_468 = tpu.matmul %max3A_463, %get3A_466, %dot_general3A_467 {dimension_numbers = #tpu.dot_dimension_numbers<[1], [1], [0], [0], [0, 0, 1, 0], [], []>, transpose_lhs_hint = false} : vector<256x256xf32>, vector<16x256xf32>, vector<256x16xf32> -> vector<256x16xf32>
    %get3A_469 = arith.constant 0 : index
    %get3A_470 = arith.constant 0 : index
    %get3A_471 = vector.load %arg7[%get3A_469, %get3A_470] : memref<1x16xf32, #tpu.memory_space<vmem>>, vector<1x16xf32>
    %add3A_472 = vector.broadcast %get3A_471 : vector<1x16xf32> to vector<256x16xf32>
    %add3A_473 = arith.addf %dot_general3A_468, %add3A_472 : vector<256x16xf32>
    %logistic3A_474 = arith.negf %add3A_473 : vector<256x16xf32>
    %logistic3A_475 = math.exp %logistic3A_474 : vector<256x16xf32>
    %logistic3A_476 = arith.constant 1.000000e+00 : f32
    %logistic3A_477 = vector.broadcast %logistic3A_476 : f32 to vector<256x16xf32>
    %logistic3A_478 = arith.addf %logistic3A_477, %logistic3A_475 : vector<256x16xf32>
    %logistic3A_479 = arith.divf %logistic3A_477, %logistic3A_478 : vector<256x16xf32>
    %get3A_480 = arith.constant 0 : index
    %get3A_481 = arith.constant 3 : index
    %get3A_482 = vector.load %arg1[%get3A_480, %get3A_481] : memref<256x4xf32, #tpu.memory_space<vmem>>, vector<256x1xf32>
    %mul3A_483 = vector.broadcast %get3A_482 : vector<256x1xf32> to vector<256x16xf32>
    %mul3A_484 = arith.mulf %logistic3A_479, %mul3A_483 : vector<256x16xf32>
    %reduce_sum3A_485 = arith.constant dense<0.000000e+00> : vector<256xf32>
    %reduce_sum3A_486 = vector.multi_reduction <add>, %mul3A_484, %reduce_sum3A_485 [1] : vector<256x16xf32> to vector<256xf32>
    %broadcast_in_dim3A_487 = vector.shape_cast %reduce_sum3A_486 : vector<256xf32> to vector<256x1xf32>
    %div3A_488 = arith.constant 1.600000e+01 : f32
    %div3A_489 = vector.broadcast %div3A_488 : f32 to vector<256x1xf32>
    %div3A_490 = arith.divf %broadcast_in_dim3A_487, %div3A_489 : vector<256x1xf32>
    %iota3A_491 = tpu.iota {dimensions = array<i32: 0>} : vector<256x1xi32>
    %scan3A_492 = arith.constant 0xFF800000 : f32
    %scan3A_493 = arith.constant 0 : i32
    %scan3A_494 = arith.constant 16 : i32
    %scan3A_495 = arith.addi %scan3A_493, %scan3A_494 : i32
    %scan3A_496 = arith.constant 1 : i32
    %scan3A_497 = scf.for %scan3A_722 = %scan3A_493 to %scan3A_495 step %scan3A_496 iter_args(%scan3A_723 = %div3A_490) -> (vector<256x1xf32>)  : i32 {
      %reduce_max3A = vector.shape_cast %scan3A_723 : vector<256x1xf32> to vector<1x256x1xf32>
      %reduce_max3A_724 = arith.constant dense<0xFF800000> : vector<1xf32>
      %reduce_max3A_725 = vector.multi_reduction <maximumf>, %reduce_max3A, %reduce_max3A_724 [1, 2] : vector<1x256x1xf32> to vector<1xf32>
      %reduce_max3A_726 = vector.shape_cast %reduce_max3A_725 : vector<1xf32> to vector<1x1x1xf32>
      %reduce_max3A_727 = vector.extract %reduce_max3A_726[0, 0, 0] : f32 from vector<1x1x1xf32>
      %eq3A = vector.broadcast %reduce_max3A_727 : f32 to vector<256x1xf32>
      %eq3A_728 = arith.cmpf oeq, %scan3A_723, %eq3A : vector<256x1xf32>
      %jit3A = arith.constant 256 : i32
      %broadcast_in_dim3A_729 = vector.broadcast %jit3A : i32 to vector<256x1xi32>
      %select_n3A = arith.select %eq3A_728, %iota3A_491, %broadcast_in_dim3A_729 : vector<256x1xi1>, vector<256x1xi32>
      %reduce_min3A = vector.shape_cast %select_n3A : vector<256x1xi32> to vector<1x256x1xi32>
      %reduce_min3A_730 = arith.constant dense<2147483647> : vector<1xi32>
      %reduce_min3A_731 = vector.multi_reduction <minsi>, %reduce_min3A, %reduce_min3A_730 [1, 2] : vector<1x256x1xi32> to vector<1xi32>
      %reduce_min3A_732 = vector.shape_cast %reduce_min3A_731 : vector<1xi32> to vector<1x1x1xi32>
      %reduce_min3A_733 = vector.extract %reduce_min3A_732[0, 0, 0] : i32 from vector<1x1x1xi32>
      %add3A_734 = arith.constant 768 : i32
      %add3A_735 = arith.addi %add3A_734, %reduce_min3A_733 : i32
      %get3A_736 = arith.index_cast %add3A_735 : i32 to index
      %get3A_737 = arith.constant 0 : index
      %get3A_738 = vector.load %arg0[%get3A_736, %get3A_737] : memref<1024x768xf32, #tpu.memory_space<vmem>>, vector<1x768xf32>
      %add3A_739 = arith.constant 120 : i32
      %add3A_740 = arith.addi %add3A_739, %scan3A_722 : i32
      %swap3A_741 = arith.index_cast %add3A_740 : i32 to index
      %swap3A_742 = arith.constant 0 : index
      %swap3A_743 = vector.load %arg32[%swap3A_741, %swap3A_742] : memref<160x768xf32, #tpu.memory_space<vmem>>, vector<1x768xf32>
      tpu.vector_store %arg32[%swap3A_741, %swap3A_742], %get3A_738 {strides = array<i32>} : memref<160x768xf32, #tpu.memory_space<vmem>>, vector<1x768xf32>,
      %eq3A_744 = vector.broadcast %reduce_min3A_733 : i32 to vector<256x1xi32>
      %eq3A_745 = arith.cmpi eq, %iota3A_491, %eq3A_744 : vector<256x1xi32>
      %broadcast_in_dim3A_746 = vector.broadcast %scan3A_492 : f32 to vector<256x1xf32>
      %select_n3A_747 = arith.select %eq3A_745, %broadcast_in_dim3A_746, %scan3A_723 : vector<256x1xi1>, vector<256x1xf32>
      scf.yield %select_n3A_747 : vector<256x1xf32>
    }
    %scan3A_498 = arith.constant 16 : i32
    %get3A_499 = arith.constant 768 : index
    %get3A_500 = arith.constant 0 : index
    %get3A_501 = vector.load %arg0[%get3A_499, %get3A_500] : memref<1024x768xf32, #tpu.memory_space<vmem>>, vector<128x768xf32>
    %get3A_502 = arith.constant 0 : index
    %get3A_503 = arith.constant 0 : index
    %get3A_504 = vector.load %arg8[%get3A_502, %get3A_503] : memref<128x768xf32, #tpu.memory_space<vmem>>, vector<128x768xf32>
    %dot_general3A_505 = arith.constant dense<0.000000e+00> : vector<128x128xf32>
    %dot_general3A_506 = tpu.matmul %get3A_501, %get3A_504, %dot_general3A_505 {dimension_numbers = #tpu.dot_dimension_numbers<[1], [1], [0], [0], [0, 0, 1, 0], [], []>, transpose_lhs_hint = false} : vector<128x768xf32>, vector<128x768xf32>, vector<128x128xf32> -> vector<128x128xf32>
    %get3A_507 = arith.constant 0 : index
    %get3A_508 = arith.constant 0 : index
    %get3A_509 = vector.load %arg9[%get3A_507, %get3A_508] : memref<1x128xf32, #tpu.memory_space<vmem>>, vector<1x128xf32>
    %add3A_510 = vector.broadcast %get3A_509 : vector<1x128xf32> to vector<128x128xf32>
    %add3A_511 = arith.addf %dot_general3A_506, %add3A_510 : vector<128x128xf32>
    %max3A_512 = arith.constant 0.000000e+00 : f32
    %max3A_513 = vector.broadcast %max3A_512 : f32 to vector<128x128xf32>
    %max3A_514 = arith.maximumf %add3A_511, %max3A_513 : vector<128x128xf32>
    %get3A_515 = arith.constant 0 : index
    %get3A_516 = arith.constant 0 : index
    %get3A_517 = vector.load %arg10[%get3A_515, %get3A_516] : memref<16x128xf32, #tpu.memory_space<vmem>>, vector<16x128xf32>
    %dot_general3A_518 = arith.constant dense<0.000000e+00> : vector<128x16xf32>
    %dot_general3A_519 = tpu.matmul %max3A_514, %get3A_517, %dot_general3A_518 {dimension_numbers = #tpu.dot_dimension_numbers<[1], [1], [0], [0], [0, 0, 1, 0], [], []>, transpose_lhs_hint = false} : vector<128x128xf32>, vector<16x128xf32>, vector<128x16xf32> -> vector<128x16xf32>
    %get3A_520 = arith.constant 0 : index
    %get3A_521 = arith.constant 0 : index
    %get3A_522 = vector.load %arg11[%get3A_520, %get3A_521] : memref<1x16xf32, #tpu.memory_space<vmem>>, vector<1x16xf32>
    %add3A_523 = vector.broadcast %get3A_522 : vector<1x16xf32> to vector<128x16xf32>
    %add3A_524 = arith.addf %dot_general3A_519, %add3A_523 : vector<128x16xf32>
    %logistic3A_525 = arith.negf %add3A_524 : vector<128x16xf32>
    %logistic3A_526 = math.exp %logistic3A_525 : vector<128x16xf32>
    %logistic3A_527 = arith.constant 1.000000e+00 : f32
    %logistic3A_528 = vector.broadcast %logistic3A_527 : f32 to vector<128x16xf32>
    %logistic3A_529 = arith.addf %logistic3A_528, %logistic3A_526 : vector<128x16xf32>
    %logistic3A_530 = arith.divf %logistic3A_528, %logistic3A_529 : vector<128x16xf32>
    %get3A_531 = arith.constant 0 : index
    %get3A_532 = arith.constant 3 : index
    %get3A_533 = vector.load %arg3[%get3A_531, %get3A_532] : memref<128x4xf32, #tpu.memory_space<vmem>>, vector<128x1xf32>
    %mul3A_534 = vector.broadcast %get3A_533 : vector<128x1xf32> to vector<128x16xf32>
    %mul3A_535 = arith.mulf %logistic3A_530, %mul3A_534 : vector<128x16xf32>
    %reduce_sum3A_536 = arith.constant dense<0.000000e+00> : vector<128xf32>
    %reduce_sum3A_537 = vector.multi_reduction <add>, %mul3A_535, %reduce_sum3A_536 [1] : vector<128x16xf32> to vector<128xf32>
    %broadcast_in_dim3A_538 = vector.shape_cast %reduce_sum3A_537 : vector<128xf32> to vector<128x1xf32>
    %div3A_539 = arith.constant 1.600000e+01 : f32
    %div3A_540 = vector.broadcast %div3A_539 : f32 to vector<128x1xf32>
    %div3A_541 = arith.divf %broadcast_in_dim3A_538, %div3A_540 : vector<128x1xf32>
    %iota3A_542 = tpu.iota {dimensions = array<i32: 0>} : vector<128x1xi32>
    %scan3A_543 = arith.constant 0xFF800000 : f32
    %scan3A_544 = arith.constant 0 : i32
    %scan3A_545 = arith.constant 16 : i32
    %scan3A_546 = arith.addi %scan3A_544, %scan3A_545 : i32
    %scan3A_547 = arith.constant 1 : i32
    %scan3A_548 = scf.for %scan3A_722 = %scan3A_544 to %scan3A_546 step %scan3A_547 iter_args(%scan3A_723 = %div3A_541) -> (vector<128x1xf32>)  : i32 {
      %reduce_max3A = vector.shape_cast %scan3A_723 : vector<128x1xf32> to vector<1x128x1xf32>
      %reduce_max3A_724 = arith.constant dense<0xFF800000> : vector<1xf32>
      %reduce_max3A_725 = vector.multi_reduction <maximumf>, %reduce_max3A, %reduce_max3A_724 [1, 2] : vector<1x128x1xf32> to vector<1xf32>
      %reduce_max3A_726 = vector.shape_cast %reduce_max3A_725 : vector<1xf32> to vector<1x1x1xf32>
      %reduce_max3A_727 = vector.extract %reduce_max3A_726[0, 0, 0] : f32 from vector<1x1x1xf32>
      %eq3A = vector.broadcast %reduce_max3A_727 : f32 to vector<128x1xf32>
      %eq3A_728 = arith.cmpf oeq, %scan3A_723, %eq3A : vector<128x1xf32>
      %jit3A = arith.constant 128 : i32
      %broadcast_in_dim3A_729 = vector.broadcast %jit3A : i32 to vector<128x1xi32>
      %select_n3A = arith.select %eq3A_728, %iota3A_542, %broadcast_in_dim3A_729 : vector<128x1xi1>, vector<128x1xi32>
      %reduce_min3A = vector.shape_cast %select_n3A : vector<128x1xi32> to vector<1x128x1xi32>
      %reduce_min3A_730 = arith.constant dense<2147483647> : vector<1xi32>
      %reduce_min3A_731 = vector.multi_reduction <minsi>, %reduce_min3A, %reduce_min3A_730 [1, 2] : vector<1x128x1xi32> to vector<1xi32>
      %reduce_min3A_732 = vector.shape_cast %reduce_min3A_731 : vector<1xi32> to vector<1x1x1xi32>
      %reduce_min3A_733 = vector.extract %reduce_min3A_732[0, 0, 0] : i32 from vector<1x1x1xi32>
      %add3A_734 = arith.constant 768 : i32
      %add3A_735 = arith.addi %add3A_734, %reduce_min3A_733 : i32
      %get3A_736 = arith.index_cast %add3A_735 : i32 to index
      %get3A_737 = arith.constant 0 : index
      %get3A_738 = vector.load %arg0[%get3A_736, %get3A_737] : memref<1024x768xf32, #tpu.memory_space<vmem>>, vector<1x768xf32>
      %add3A_739 = arith.constant 136 : i32
      %add3A_740 = arith.addi %add3A_739, %scan3A_722 : i32
      %swap3A_741 = arith.index_cast %add3A_740 : i32 to index
      %swap3A_742 = arith.constant 0 : index
      %swap3A_743 = vector.load %arg32[%swap3A_741, %swap3A_742] : memref<160x768xf32, #tpu.memory_space<vmem>>, vector<1x768xf32>
      tpu.vector_store %arg32[%swap3A_741, %swap3A_742], %get3A_738 {strides = array<i32>} : memref<160x768xf32, #tpu.memory_space<vmem>>, vector<1x768xf32>,
      %eq3A_744 = vector.broadcast %reduce_min3A_733 : i32 to vector<128x1xi32>
      %eq3A_745 = arith.cmpi eq, %iota3A_542, %eq3A_744 : vector<128x1xi32>
      %broadcast_in_dim3A_746 = vector.broadcast %scan3A_543 : f32 to vector<128x1xf32>
      %select_n3A_747 = arith.select %eq3A_745, %broadcast_in_dim3A_746, %scan3A_723 : vector<128x1xi1>, vector<128x1xf32>
      scf.yield %select_n3A_747 : vector<128x1xf32>
    }
    %scan3A_549 = arith.constant 16 : i32
    %get3A_550 = arith.constant 768 : index
    %get3A_551 = arith.constant 0 : index
    %get3A_552 = vector.load %arg0[%get3A_550, %get3A_551] : memref<1024x768xf32, #tpu.memory_space<vmem>>, vector<64x768xf32>
    %get3A_553 = arith.constant 0 : index
    %get3A_554 = arith.constant 0 : index
    %get3A_555 = vector.load %arg12[%get3A_553, %get3A_554] : memref<64x768xf32, #tpu.memory_space<vmem>>, vector<64x768xf32>
    %dot_general3A_556 = arith.constant dense<0.000000e+00> : vector<64x64xf32>
    %dot_general3A_557 = tpu.matmul %get3A_552, %get3A_555, %dot_general3A_556 {dimension_numbers = #tpu.dot_dimension_numbers<[1], [1], [0], [0], [0, 0, 1, 0], [], []>, transpose_lhs_hint = false} : vector<64x768xf32>, vector<64x768xf32>, vector<64x64xf32> -> vector<64x64xf32>
    %get3A_558 = arith.constant 0 : index
    %get3A_559 = arith.constant 0 : index
    %get3A_560 = vector.load %arg13[%get3A_558, %get3A_559] : memref<1x64xf32, #tpu.memory_space<vmem>>, vector<1x64xf32>
    %add3A_561 = vector.broadcast %get3A_560 : vector<1x64xf32> to vector<64x64xf32>
    %add3A_562 = arith.addf %dot_general3A_557, %add3A_561 : vector<64x64xf32>
    %max3A_563 = arith.constant 0.000000e+00 : f32
    %max3A_564 = vector.broadcast %max3A_563 : f32 to vector<64x64xf32>
    %max3A_565 = arith.maximumf %add3A_562, %max3A_564 : vector<64x64xf32>
    %get3A_566 = arith.constant 0 : index
    %get3A_567 = arith.constant 0 : index
    %get3A_568 = vector.load %arg14[%get3A_566, %get3A_567] : memref<8x64xf32, #tpu.memory_space<vmem>>, vector<8x64xf32>
    %dot_general3A_569 = arith.constant dense<0.000000e+00> : vector<64x8xf32>
    %dot_general3A_570 = tpu.matmul %max3A_565, %get3A_568, %dot_general3A_569 {dimension_numbers = #tpu.dot_dimension_numbers<[1], [1], [0], [0], [0, 0, 1, 0], [], []>, transpose_lhs_hint = false} : vector<64x64xf32>, vector<8x64xf32>, vector<64x8xf32> -> vector<64x8xf32>
    %get3A_571 = arith.constant 0 : index
    %get3A_572 = arith.constant 0 : index
    %get3A_573 = vector.load %arg15[%get3A_571, %get3A_572] : memref<1x8xf32, #tpu.memory_space<vmem>>, vector<1x8xf32>
    %add3A_574 = vector.broadcast %get3A_573 : vector<1x8xf32> to vector<64x8xf32>
    %add3A_575 = arith.addf %dot_general3A_570, %add3A_574 : vector<64x8xf32>
    %logistic3A_576 = arith.negf %add3A_575 : vector<64x8xf32>
    %logistic3A_577 = math.exp %logistic3A_576 : vector<64x8xf32>
    %logistic3A_578 = arith.constant 1.000000e+00 : f32
    %logistic3A_579 = vector.broadcast %logistic3A_578 : f32 to vector<64x8xf32>
    %logistic3A_580 = arith.addf %logistic3A_579, %logistic3A_577 : vector<64x8xf32>
    %logistic3A_581 = arith.divf %logistic3A_579, %logistic3A_580 : vector<64x8xf32>
    %get3A_582 = arith.constant 0 : index
    %get3A_583 = arith.constant 3 : index
    %get3A_584 = vector.load %arg2[%get3A_582, %get3A_583] : memref<64x4xf32, #tpu.memory_space<vmem>>, vector<64x1xf32>
    %mul3A_585 = vector.broadcast %get3A_584 : vector<64x1xf32> to vector<64x8xf32>
    %mul3A_586 = arith.mulf %logistic3A_581, %mul3A_585 : vector<64x8xf32>
    %reduce_sum3A_587 = arith.constant dense<0.000000e+00> : vector<64xf32>
    %reduce_sum3A_588 = vector.multi_reduction <add>, %mul3A_586, %reduce_sum3A_587 [1] : vector<64x8xf32> to vector<64xf32>
    %broadcast_in_dim3A_589 = vector.shape_cast %reduce_sum3A_588 : vector<64xf32> to vector<64x1xf32>
    %div3A_590 = arith.constant 8.000000e+00 : f32
    %div3A_591 = vector.broadcast %div3A_590 : f32 to vector<64x1xf32>
    %div3A_592 = arith.divf %broadcast_in_dim3A_589, %div3A_591 : vector<64x1xf32>
    %iota3A_593 = tpu.iota {dimensions = array<i32: 0>} : vector<64x1xi32>
    %scan3A_594 = arith.constant 0xFF800000 : f32
    %scan3A_595 = arith.constant 0 : i32
    %scan3A_596 = arith.constant 8 : i32
    %scan3A_597 = arith.addi %scan3A_595, %scan3A_596 : i32
    %scan3A_598 = arith.constant 1 : i32
    %scan3A_599 = scf.for %scan3A_722 = %scan3A_595 to %scan3A_597 step %scan3A_598 iter_args(%scan3A_723 = %div3A_592) -> (vector<64x1xf32>)  : i32 {
      %reduce_max3A = vector.shape_cast %scan3A_723 : vector<64x1xf32> to vector<1x64x1xf32>
      %reduce_max3A_724 = arith.constant dense<0xFF800000> : vector<1xf32>
      %reduce_max3A_725 = vector.multi_reduction <maximumf>, %reduce_max3A, %reduce_max3A_724 [1, 2] : vector<1x64x1xf32> to vector<1xf32>
      %reduce_max3A_726 = vector.shape_cast %reduce_max3A_725 : vector<1xf32> to vector<1x1x1xf32>
      %reduce_max3A_727 = vector.extract %reduce_max3A_726[0, 0, 0] : f32 from vector<1x1x1xf32>
      %eq3A = vector.broadcast %reduce_max3A_727 : f32 to vector<64x1xf32>
      %eq3A_728 = arith.cmpf oeq, %scan3A_723, %eq3A : vector<64x1xf32>
      %jit3A = arith.constant 64 : i32
      %broadcast_in_dim3A_729 = vector.broadcast %jit3A : i32 to vector<64x1xi32>
      %select_n3A = arith.select %eq3A_728, %iota3A_593, %broadcast_in_dim3A_729 : vector<64x1xi1>, vector<64x1xi32>
      %reduce_min3A = vector.shape_cast %select_n3A : vector<64x1xi32> to vector<1x64x1xi32>
      %reduce_min3A_730 = arith.constant dense<2147483647> : vector<1xi32>
      %reduce_min3A_731 = vector.multi_reduction <minsi>, %reduce_min3A, %reduce_min3A_730 [1, 2] : vector<1x64x1xi32> to vector<1xi32>
      %reduce_min3A_732 = vector.shape_cast %reduce_min3A_731 : vector<1xi32> to vector<1x1x1xi32>
      %reduce_min3A_733 = vector.extract %reduce_min3A_732[0, 0, 0] : i32 from vector<1x1x1xi32>
      %add3A_734 = arith.constant 768 : i32
      %add3A_735 = arith.addi %add3A_734, %reduce_min3A_733 : i32
      %get3A_736 = arith.index_cast %add3A_735 : i32 to index
      %get3A_737 = arith.constant 0 : index
      %get3A_738 = vector.load %arg0[%get3A_736, %get3A_737] : memref<1024x768xf32, #tpu.memory_space<vmem>>, vector<1x768xf32>
      %add3A_739 = arith.constant 152 : i32
      %add3A_740 = arith.addi %add3A_739, %scan3A_722 : i32
      %swap3A_741 = arith.index_cast %add3A_740 : i32 to index
      %swap3A_742 = arith.constant 0 : index
      %swap3A_743 = vector.load %arg32[%swap3A_741, %swap3A_742] : memref<160x768xf32, #tpu.memory_space<vmem>>, vector<1x768xf32>
      tpu.vector_store %arg32[%swap3A_741, %swap3A_742], %get3A_738 {strides = array<i32>} : memref<160x768xf32, #tpu.memory_space<vmem>>, vector<1x768xf32>,
      %eq3A_744 = vector.broadcast %reduce_min3A_733 : i32 to vector<64x1xi32>
      %eq3A_745 = arith.cmpi eq, %iota3A_593, %eq3A_744 : vector<64x1xi32>
      %broadcast_in_dim3A_746 = vector.broadcast %scan3A_594 : f32 to vector<64x1xf32>
      %select_n3A_747 = arith.select %eq3A_745, %broadcast_in_dim3A_746, %scan3A_723 : vector<64x1xi1>, vector<64x1xf32>
      scf.yield %select_n3A_747 : vector<64x1xf32>
    }
    %scan3A_600 = arith.constant 8 : i32
    %get3A_601 = arith.constant 0 : index
    %get3A_602 = arith.constant 0 : index
    %get3A_603 = vector.load %arg32[%get3A_601, %get3A_602] : memref<160x768xf32, #tpu.memory_space<vmem>>, vector<160x768xf32>
    %get3A_604 = arith.constant 0 : index
    %get3A_605 = arith.constant 0 : index
    %get3A_606 = vector.load %arg16[%get3A_604, %get3A_605] : memref<384x768xf32, #tpu.memory_space<vmem>>, vector<384x768xf32>
    %dot_general3A_607 = arith.constant dense<0.000000e+00> : vector<160x384xf32>
    %dot_general3A_608 = tpu.matmul %get3A_603, %get3A_606, %dot_general3A_607 {dimension_numbers = #tpu.dot_dimension_numbers<[1], [1], [0], [0], [0, 0, 1, 0], [], []>, transpose_lhs_hint = false} : vector<160x768xf32>, vector<384x768xf32>, vector<160x384xf32> -> vector<160x384xf32>
    %get3A_609 = arith.constant 0 : index
    %get3A_610 = arith.constant 0 : index
    %get3A_611 = vector.load %arg17[%get3A_609, %get3A_610] : memref<1x384xf32, #tpu.memory_space<vmem>>, vector<1x384xf32>
    %add3A_612 = vector.broadcast %get3A_611 : vector<1x384xf32> to vector<160x384xf32>
    %add3A_613 = arith.addf %dot_general3A_608, %add3A_612 : vector<160x384xf32>
    %max3A_614 = arith.constant 0.000000e+00 : f32
    %max3A_615 = vector.broadcast %max3A_614 : f32 to vector<160x384xf32>
    %max3A_616 = arith.maximumf %add3A_613, %max3A_615 : vector<160x384xf32>
    %get3A_617 = arith.constant 0 : index
    %get3A_618 = arith.constant 0 : index
    %get3A_619 = vector.load %arg18[%get3A_617, %get3A_618] : memref<768x384xf32, #tpu.memory_space<vmem>>, vector<768x384xf32>
    %dot_general3A_620 = arith.constant dense<0.000000e+00> : vector<160x768xf32>
    %dot_general3A_621 = tpu.matmul %max3A_616, %get3A_619, %dot_general3A_620 {dimension_numbers = #tpu.dot_dimension_numbers<[1], [1], [0], [0], [0, 0, 1, 0], [], []>, transpose_lhs_hint = false} : vector<160x384xf32>, vector<768x384xf32>, vector<160x768xf32> -> vector<160x768xf32>
    %get3A_622 = arith.constant 0 : index
    %get3A_623 = arith.constant 0 : index
    %get3A_624 = vector.load %arg19[%get3A_622, %get3A_623] : memref<1x768xf32, #tpu.memory_space<vmem>>, vector<1x768xf32>
    %add3A_625 = vector.broadcast %get3A_624 : vector<1x768xf32> to vector<160x768xf32>
    %add3A_626 = arith.addf %dot_general3A_621, %add3A_625 : vector<160x768xf32>
    %reduce_sum3A_627 = arith.constant dense<0.000000e+00> : vector<160xf32>
    %reduce_sum3A_628 = vector.multi_reduction <add>, %add3A_626, %reduce_sum3A_627 [1] : vector<160x768xf32> to vector<160xf32>
    %broadcast_in_dim3A_629 = vector.shape_cast %reduce_sum3A_628 : vector<160xf32> to vector<160x1xf32>
    %div3A_630 = arith.constant 7.680000e+02 : f32
    %div3A_631 = vector.broadcast %div3A_630 : f32 to vector<160x1xf32>
    %div3A_632 = arith.divf %broadcast_in_dim3A_629, %div3A_631 : vector<160x1xf32>
    %sub3A = vector.broadcast %div3A_632 : vector<160x1xf32> to vector<160x768xf32>
    %sub3A_633 = arith.subf %add3A_626, %sub3A : vector<160x768xf32>
    %integer_pow3A = arith.mulf %sub3A_633, %sub3A_633 : vector<160x768xf32>
    %reduce_sum3A_634 = arith.constant dense<0.000000e+00> : vector<160xf32>
    %reduce_sum3A_635 = vector.multi_reduction <add>, %integer_pow3A, %reduce_sum3A_634 [1] : vector<160x768xf32> to vector<160xf32>
    %broadcast_in_dim3A_636 = vector.shape_cast %reduce_sum3A_635 : vector<160xf32> to vector<160x1xf32>
    %div3A_637 = arith.constant 7.680000e+02 : f32
    %div3A_638 = vector.broadcast %div3A_637 : f32 to vector<160x1xf32>
    %div3A_639 = arith.divf %broadcast_in_dim3A_636, %div3A_638 : vector<160x1xf32>
    %sub3A_640 = vector.broadcast %div3A_632 : vector<160x1xf32> to vector<160x768xf32>
    %sub3A_641 = arith.subf %add3A_626, %sub3A_640 : vector<160x768xf32>
    %add3A_642 = arith.constant 9.99999974E-6 : f32
    %add3A_643 = vector.broadcast %add3A_642 : f32 to vector<160x1xf32>
    %add3A_644 = arith.addf %div3A_639, %add3A_643 : vector<160x1xf32>
    %sqrt3A = math.sqrt %add3A_644 : vector<160x1xf32>
    %div3A_645 = vector.broadcast %sqrt3A : vector<160x1xf32> to vector<160x768xf32>
    %div3A_646 = arith.divf %sub3A_641, %div3A_645 : vector<160x768xf32>
    %get3A_647 = arith.constant 0 : index
    %get3A_648 = arith.constant 0 : index
    %get3A_649 = vector.load %arg20[%get3A_647, %get3A_648] : memref<1x768xf32, #tpu.memory_space<vmem>>, vector<1x768xf32>
    %mul3A_650 = vector.broadcast %get3A_649 : vector<1x768xf32> to vector<160x768xf32>
    %mul3A_651 = arith.mulf %div3A_646, %mul3A_650 : vector<160x768xf32>
    %get3A_652 = arith.constant 0 : index
    %get3A_653 = arith.constant 0 : index
    %get3A_654 = vector.load %arg21[%get3A_652, %get3A_653] : memref<1x768xf32, #tpu.memory_space<vmem>>, vector<1x768xf32>
    %add3A_655 = vector.broadcast %get3A_654 : vector<1x768xf32> to vector<160x768xf32>
    %add3A_656 = arith.addf %mul3A_651, %add3A_655 : vector<160x768xf32>
    %swap3A = arith.constant 0 : index
    %swap3A_657 = arith.constant 0 : index
    %swap3A_658 = vector.load %arg31[%swap3A, %swap3A_657] : memref<640x768xf32, #tpu.memory_space<vmem>>, vector<160x768xf32>
    tpu.vector_store %arg31[%swap3A, %swap3A_657], %add3A_656 {strides = array<i32>} : memref<640x768xf32, #tpu.memory_space<vmem>>, vector<160x768xf32>,
    %get3A_659 = arith.constant 0 : index
    %get3A_660 = arith.constant 0 : index
    %get3A_661 = vector.load %arg22[%get3A_659, %get3A_660] : memref<16x768xf32, #tpu.memory_space<vmem>>, vector<16x768xf32>
    %dot_general3A_662 = arith.constant dense<0.000000e+00> : vector<160x16xf32>
    %dot_general3A_663 = tpu.matmul %add3A_656, %get3A_661, %dot_general3A_662 {dimension_numbers = #tpu.dot_dimension_numbers<[1], [1], [0], [0], [0, 0, 1, 0], [], []>, transpose_lhs_hint = false} : vector<160x768xf32>, vector<16x768xf32>, vector<160x16xf32> -> vector<160x16xf32>
    %get3A_664 = arith.constant 0 : index
    %get3A_665 = arith.constant 0 : index
    %get3A_666 = vector.load %arg23[%get3A_664, %get3A_665] : memref<768x16xf32, #tpu.memory_space<vmem>>, vector<768x16xf32>
    %dot_general3A_667 = arith.constant dense<0.000000e+00> : vector<160x768xf32>
    %dot_general3A_668 = tpu.matmul %dot_general3A_663, %get3A_666, %dot_general3A_667 {dimension_numbers = #tpu.dot_dimension_numbers<[1], [1], [0], [0], [0, 0, 1, 0], [], []>, transpose_lhs_hint = false} : vector<160x16xf32>, vector<768x16xf32>, vector<160x768xf32> -> vector<160x768xf32>
    %mul3A_669 = arith.constant 2.000000e+00 : f32
    %mul3A_670 = vector.broadcast %mul3A_669 : f32 to vector<160x768xf32>
    %mul3A_671 = arith.mulf %dot_general3A_668, %mul3A_670 : vector<160x768xf32>
    %get3A_672 = arith.constant 0 : index
    %get3A_673 = arith.constant 0 : index
    %get3A_674 = vector.load %arg24[%get3A_672, %get3A_673] : memref<1x768xf32, #tpu.memory_space<vmem>>, vector<1x768xf32>
    %mul3A_675 = vector.broadcast %get3A_674 : vector<1x768xf32> to vector<160x768xf32>
    %mul3A_676 = arith.mulf %mul3A_671, %mul3A_675 : vector<160x768xf32>
    %swap3A_677 = arith.constant 160 : index
    %swap3A_678 = arith.constant 0 : index
    %swap3A_679 = vector.load %arg31[%swap3A_677, %swap3A_678] : memref<640x768xf32, #tpu.memory_space<vmem>>, vector<160x768xf32>
    tpu.vector_store %arg31[%swap3A_677, %swap3A_678], %mul3A_676 {strides = array<i32>} : memref<640x768xf32, #tpu.memory_space<vmem>>, vector<160x768xf32>,
    %get3A_680 = arith.constant 0 : index
    %get3A_681 = arith.constant 0 : index
    %get3A_682 = vector.load %arg25[%get3A_680, %get3A_681] : memref<16x768xf32, #tpu.memory_space<vmem>>, vector<16x768xf32>
    %dot_general3A_683 = arith.constant dense<0.000000e+00> : vector<160x16xf32>
    %dot_general3A_684 = tpu.matmul %add3A_656, %get3A_682, %dot_general3A_683 {dimension_numbers = #tpu.dot_dimension_numbers<[1], [1], [0], [0], [0, 0, 1, 0], [], []>, transpose_lhs_hint = false} : vector<160x768xf32>, vector<16x768xf32>, vector<160x16xf32> -> vector<160x16xf32>
    %get3A_685 = arith.constant 0 : index
    %get3A_686 = arith.constant 0 : index
    %get3A_687 = vector.load %arg26[%get3A_685, %get3A_686] : memref<768x16xf32, #tpu.memory_space<vmem>>, vector<768x16xf32>
    %dot_general3A_688 = arith.constant dense<0.000000e+00> : vector<160x768xf32>
    %dot_general3A_689 = tpu.matmul %dot_general3A_684, %get3A_687, %dot_general3A_688 {dimension_numbers = #tpu.dot_dimension_numbers<[1], [1], [0], [0], [0, 0, 1, 0], [], []>, transpose_lhs_hint = false} : vector<160x16xf32>, vector<768x16xf32>, vector<160x768xf32> -> vector<160x768xf32>
    %mul3A_690 = arith.constant 2.000000e+00 : f32
    %mul3A_691 = vector.broadcast %mul3A_690 : f32 to vector<160x768xf32>
    %mul3A_692 = arith.mulf %dot_general3A_689, %mul3A_691 : vector<160x768xf32>
    %get3A_693 = arith.constant 0 : index
    %get3A_694 = arith.constant 0 : index
    %get3A_695 = vector.load %arg27[%get3A_693, %get3A_694] : memref<1x768xf32, #tpu.memory_space<vmem>>, vector<1x768xf32>
    %mul3A_696 = vector.broadcast %get3A_695 : vector<1x768xf32> to vector<160x768xf32>
    %mul3A_697 = arith.mulf %mul3A_692, %mul3A_696 : vector<160x768xf32>
    %swap3A_698 = arith.constant 320 : index
    %swap3A_699 = arith.constant 0 : index
    %swap3A_700 = vector.load %arg31[%swap3A_698, %swap3A_699] : memref<640x768xf32, #tpu.memory_space<vmem>>, vector<160x768xf32>
    tpu.vector_store %arg31[%swap3A_698, %swap3A_699], %mul3A_697 {strides = array<i32>} : memref<640x768xf32, #tpu.memory_space<vmem>>, vector<160x768xf32>,
    %get3A_701 = arith.constant 0 : index
    %get3A_702 = arith.constant 0 : index
    %get3A_703 = vector.load %arg28[%get3A_701, %get3A_702] : memref<16x768xf32, #tpu.memory_space<vmem>>, vector<16x768xf32>
    %dot_general3A_704 = arith.constant dense<0.000000e+00> : vector<160x16xf32>
    %dot_general3A_705 = tpu.matmul %add3A_656, %get3A_703, %dot_general3A_704 {dimension_numbers = #tpu.dot_dimension_numbers<[1], [1], [0], [0], [0, 0, 1, 0], [], []>, transpose_lhs_hint = false} : vector<160x768xf32>, vector<16x768xf32>, vector<160x16xf32> -> vector<160x16xf32>
    %get3A_706 = arith.constant 0 : index
    %get3A_707 = arith.constant 0 : index
    %get3A_708 = vector.load %arg29[%get3A_706, %get3A_707] : memref<768x16xf32, #tpu.memory_space<vmem>>, vector<768x16xf32>
    %dot_general3A_709 = arith.constant dense<0.000000e+00> : vector<160x768xf32>
    %dot_general3A_710 = tpu.matmul %dot_general3A_705, %get3A_708, %dot_general3A_709 {dimension_numbers = #tpu.dot_dimension_numbers<[1], [1], [0], [0], [0, 0, 1, 0], [], []>, transpose_lhs_hint = false} : vector<160x16xf32>, vector<768x16xf32>, vector<160x768xf32> -> vector<160x768xf32>
    %mul3A_711 = arith.constant 2.000000e+00 : f32
    %mul3A_712 = vector.broadcast %mul3A_711 : f32 to vector<160x768xf32>
    %mul3A_713 = arith.mulf %dot_general3A_710, %mul3A_712 : vector<160x768xf32>
    %get3A_714 = arith.constant 0 : index
    %get3A_715 = arith.constant 0 : index
    %get3A_716 = vector.load %arg30[%get3A_714, %get3A_715] : memref<1x768xf32, #tpu.memory_space<vmem>>, vector<1x768xf32>
    %mul3A_717 = vector.broadcast %get3A_716 : vector<1x768xf32> to vector<160x768xf32>
    %mul3A_718 = arith.mulf %mul3A_713, %mul3A_717 : vector<160x768xf32>
    %swap3A_719 = arith.constant 480 : index
    %swap3A_720 = arith.constant 0 : index
    %swap3A_721 = vector.load %arg31[%swap3A_719, %swap3A_720] : memref<640x768xf32, #tpu.memory_space<vmem>>, vector<160x768xf32>
    tpu.vector_store %arg31[%swap3A_719, %swap3A_720], %mul3A_718 {strides = array<i32>} : memref<640x768xf32, #tpu.memory_space<vmem>>, vector<160x768xf32>,
    return
  }
}

</mosaic_0001>

<sc_bundles>
// kernel: kernel.5.cloned.1.call-start
scs
__scs_entry_jumppad:
0x0: {  	(pc) =	sbr.rel $0x88, $3  }
0x1: {  	(tag) =	ssettag $0x0;
	lr =	simm.s32 $0x1  }
0x2: {  	[smem:$0x3F84] =	sst lr;
	_ =	strace $0xD0000000  }
0x3: {  	_ = 	snop  }
0x4: {  	_ = 	snop  }
0x5: {  	_ = 	snop  }
0x6: {  	_ = 	snop  }
0x7: {  	_ = 	snop  }
__scs_overlays_trampoline_lowered:
0x8: {  	[smem:$0x3F93] =	sst s0  }
0x9: {  	[smem:$0x3F94] =	sst s1  }
0xa: {  	[smem:$0x3F95] =	sst s2  }
0xb: {  	[smem:$0x3F96] =	sst s3  }
0xc: {  	[smem:$0x3F97] =	sst s4  }
0xd: {  	[smem:$0x3F98] =	sst s5  }
0xe: {  	[smem:$0x3F99] =	sst s6  }
0xf: {  	[smem:$0x3F9A] =	sst s7  }
0x10: {  	[smem:$0x3F9B] =	sst s8  }
0x11: {  	[smem:$0x3F9C] =	sst s9;
	s0 =	simm.s32 @!p0 $0x0  }
0x12: {  	s1 =	sld [smem:$0x3F82];
	s0 =	simm.s32 @p0 $0x1  }
0x13: {  	[smem:$0x3F9D] =	sst s0;
	s0 =	simm.s32 @!p1 $0x0  }
0x14: {  	s2 =	sld [smem:$0x3F81];
	s0 =	simm.s32 @p1 $0x1  }
0x15: {  	[smem:$0x3F9E] =	sst s0;
	s0 =	simm.s32 @!p2 $0x0  }
0x16: {  	s3 =	sld [smem:$0x3FDB];
	s0 =	simm.s32 @p2 $0x1  }
0x17: {  	s4 =	simm.s32 $0x1BF5;
	[smem:$0x3FA0] =	sst s0  }
0x18: {  	s0 =	sld [smem:$0x3F83];
	_ =	swait.ge [sflag:s4], $0x0  }
0x19: {  	s7 =	sld [smem:$0x3F84]  }
0x1a: {  	s8 =	sadd.s32 $0xFFFFE003, lr  }
0x1b: {  	s9 =	sadd.s32 $0xFFFFFEF7, lr;
	s5 =	simm.s32 $0xFFFFFFFF;
	p2 =	slt.u32 s8, $0xFFFFF086  }
0x1c: {  	p1 =	slt.u32 s9, $0xF7A;
	s5 =	simm.s32 @!p2 $0x0  }
0x1d: {  	s5 =	simm.s32 @p1 $0x1;
	p0 =	seq.s32 s7, s2  }
0x1e: {  	s7 =	smul.u32 @!p0 $0xF7A, s2;
	p2 =	seq.s32 @!p0 s5, $0x0  }
0x1f: {  	s9 =	smul.u32 $0xF7A, s1;
	s8 =	simm.s32 @!p0 $0x1BF5;
	p2 =	por !p2, p0  }
0x20: {  	[sflag:s8] =	ssyncset.s32 @!p0 $0xFFFFF086;
	s6 =	sadd.s32 @!p0 s3, s7;
	s7 =	simm.s32 @!p0 $0x108  }
0x21: {  	s3 =	sadd.s32 s3, s9;
	s6 =	sadd.s32 @!p0 $0x88, s6;
	s7 =	simm.s32 @p2 $0x1082  }
0x22: {  	[simem:s7], [sflag:s8] =	dma.local @!p0 [hbm:s6], $0xF7A  }
0x23: {  	s9 =	sor.u32 $0xD0000000, s2;
	s6 =	simm.s32 $0x108;
	_ =	swait.ge @!p0 [sflag:s8], $0x0  }
0x24: {  	s3 =	sadd.s32 $0x88, s3;
	s6 =	simm.s32 @!p1 $0x1082;
	[sflag:s4] =	ssyncset.s32 $0xFFFFF086  }
0x25: {  	[simem:s6], [sflag:s4] =	dma.local [hbm:s3], $0xF7A  }
0x26: {  	[smem:$0x3F84] =	sst s1;
	(tag) =	ssettag s2;
	_ =	strace s9  }
0x27: {  	s1 =	sld [smem:$0x3F94]  }
0x28: {  	s2 =	sld [smem:$0x3F95]  }
0x29: {  	s4 =	sld [smem:$0x3F97]  }
0x2a: {  	p0 =	seq.s32 s5, $0x0;
	s5 =	sld [smem:$0x3F98]  }
0x2b: {  	s6 =	sld [smem:$0x3F99]  }
0x2c: {  	s7 =	sld [smem:$0x3F9A]  }
0x2d: {  	s3 =	simm.s32 $0x108;
	s8 =	sld [smem:$0x3F9B]  }
0x2e: {  	s3 =	simm.s32 @!p0 $0x1082;
	s9 =	sld [smem:$0x3F9C]  }
0x2f: {  	lr =	sadd.s32 s0, s3;
	s0 =	sld [smem:$0x3F93]  }
0x30: {  	s3 =	sld [smem:$0x3F96]  }
0x31: {  	[smem:$0x3F9F] =	sst s10  }
0x32: {  	s10 =	sld [smem:$0x3F9D];
	_ =	sdelay $0x3  }
0x33: {  	p0 =	seq.s32 s10, $0x1;
	s10 =	sld [smem:$0x3F9F];
	_ =	sdelay $0x3  }
0x34: {  	[smem:$0x3F9F] =	sst s10  }
0x35: {  	s10 =	sld [smem:$0x3F9E];
	_ =	sdelay $0x3  }
0x36: {  	p1 =	seq.s32 s10, $0x1;
	s10 =	sld [smem:$0x3F9F];
	_ =	sdelay $0x3  }
0x37: {  	[smem:$0x3F9F] =	sst s10  }
0x38: {  	s10 =	sld [smem:$0x3FA0]  }
0x39: {  	_ = 	snop;
	(pc) =	sbr.ind lr, $3  }
0x3a: {  	_ = 	snop  }
0x3b: {  	_ = 	snop  }
0x3c: {  	p2 =	seq.s32 s10, $0x1;
	s10 =	sld [smem:$0x3F9F]  }
0x3d: {  	_ =	shalt  }
0x3e: {  	_ =	shalt  }
0x3f: {  	_ =	shalt  }
0x40: {  	_ =	shalt  }
0x41: {  	_ =	shalt  }
0x42: {  	_ =	shalt  }
0x43: {  	_ =	shalt  }
0x44: {  	_ =	shalt  }
0x45: {  	_ =	shalt  }
0x46: {  	_ =	shalt  }
0x47: {  	_ =	shalt  }
0x48: {  	_ =	shalt  }
0x49: {  	_ =	shalt  }
0x4a: {  	_ =	shalt  }
0x4b: {  	_ =	shalt  }
0x4c: {  	_ =	shalt  }
0x4d: {  	_ =	shalt  }
0x4e: {  	_ =	shalt  }
0x4f: {  	_ =	shalt  }
0x50: {  	_ =	shalt  }
0x51: {  	_ =	shalt  }
0x52: {  	_ =	shalt  }
0x53: {  	_ =	shalt  }
0x54: {  	_ =	shalt  }
0x55: {  	_ =	shalt  }
0x56: {  	_ =	shalt  }
0x57: {  	_ =	shalt  }
0x58: {  	_ =	shalt  }
0x59: {  	_ =	shalt  }
0x5a: {  	_ =	shalt  }
0x5b: {  	_ =	shalt  }
0x5c: {  	_ =	shalt  }
0x5d: {  	_ =	shalt  }
0x5e: {  	_ =	shalt  }
0x5f: {  	_ =	shalt  }
0x60: {  	_ =	shalt  }
0x61: {  	_ =	shalt  }
0x62: {  	_ =	shalt  }
0x63: {  	_ =	shalt  }
0x64: {  	_ =	shalt  }
0x65: {  	_ =	shalt  }
0x66: {  	_ =	shalt  }
0x67: {  	_ =	shalt  }
0x68: {  	_ =	shalt  }
0x69: {  	_ =	shalt  }
0x6a: {  	_ =	shalt  }
0x6b: {  	_ =	shalt  }
0x6c: {  	_ =	shalt  }
0x6d: {  	_ =	shalt  }
0x6e: {  	_ =	shalt  }
0x6f: {  	_ =	shalt  }
0x70: {  	_ =	shalt  }
0x71: {  	_ =	shalt  }
0x72: {  	_ =	shalt  }
0x73: {  	_ =	shalt  }
0x74: {  	_ =	shalt  }
0x75: {  	_ =	shalt  }
0x76: {  	_ =	shalt  }
0x77: {  	_ =	shalt  }
0x78: {  	_ =	shalt  }
0x79: {  	_ =	shalt  }
0x7a: {  	_ =	shalt  }
0x7b: {  	_ =	shalt  }
0x7c: {  	_ =	shalt  }
0x7d: {  	_ =	shalt  }
0x7e: {  	_ =	shalt  }
0x7f: {  	_ =	shalt  }
0x80: {  	_ =	shalt  }
0x81: {  	_ =	shalt  }
0x82: {  	_ =	shalt  }
0x83: {  	_ =	shalt  }
0x84: {  	_ =	shalt  }
0x85: {  	_ =	shalt  }
0x86: {  	_ =	shalt  }
0x87: {  	_ =	shalt  }
.Lfunc_end0:
.L_simem_size_0:
called_computation_lowered:
.L_overlay_start_0:
0x88: {  	s2 =	sld [smem:$0x3FD9]  }
0x89: {  	s3 =	sld [smem:$0x3FFE];
	_ =	sdelay $0x1  }
0x8a: {  	s1 =	srdreg.scid  }
0x8b: {  	s0 =	sand.u32 $0x1, s1  }
0x8c: {  	s17 =	sshll.u32 s0, $0xA;
	s2 =	sadd.s32 s3, s2  }
0x8d: {  	s2 =	sadd.s32 s2, s17  }
0x8e: {  	[smem:$0x3FAB] =	sst s2  }
0x8f: {  	_ = 	snop  }
0x90: {  	s2 =	sld [smem:$0x3FC9]  }
0x91: {  	s18 =	sld [smem:$0x3FD0];
	(tm) =	ssettm $0x1  }
0x92: {  	s4 =	sld [smem:$0x3FFB];
	_ =	sdelay $0x3  }
0x93: {  	_ =	strace s4  }
0x94: {  	s4 =	sld [smem:$0x3FFC];
	_ =	sdelay $0x3  }
0x95: {  	_ =	strace s4  }
0x96: {  	s4 =	sld [smem:$0x3FFD];
	_ =	sdelay $0x3  }
0x97: {  	_ =	strace s4  }
0x98: {  	_ =	strace $0x8FFFFFFF  }
0x99: {  	s19 =	sld [smem:$0x3FDB];
	_ =	sdelay $0x1  }
0x9a: {  	s5 =	simm.s32 $_scs_section_size  }
0x9b: {  	s6 =	simm.s32 $_size__tile_overlayer_lowered;
	s7 =	simm.s32 $_tile_overlayer_lowered  }
0x9c: {  	s22 =	simm.s32 $0x1BFF;
	s21 =	sshll.u32 s7, $0x1;
	s4 =	sadd.s32 s5, s19  }
0x9d: {  	s8 =	simm.s32 $0x0;
	s20 =	sshll.u32 s6, $0x1;
	s6 =	sadd.s32 s21, s4  }
0x9e: {  	[timem:s8], [sflag:s22] =	dma.local [hbm:s6], s20  }
0x9f: {  	_ =	swait.ge [sflag:s22], s20  }
0xa0: {  	s5 =	ssub.s32 $0x0, s20;
	[sflag:s22] =	ssyncset.done $0x0  }
0xa1: {  	[sflag:s22] =	ssyncadd.s32 s5;
	_ =	sdelay $0x1  }
0xa2: {  	s23 =	simm.s32 $0x1B8B  }
0xa3: {  	_ =	swait.ge [sflag:s23], $0x1  }
0xa4: {  	[sflag:s23] =	ssyncset.done $0x0  }
0xa5: {  	s25 =	simm.s32 $0x1B8E;
	s24 =	sld [smem:$0x3FFE];
	[sflag:s23] =	ssyncadd.s32 $0xFFFFFFFF  }
0xa6: {  	s26 =	simm.s32 $execute0_lowered;
	[smem:$0x3FD2] =	sst s25  }
0xa7: {  	s6 =	sshll.u32 s26, $0x1;
	_ =	strace $0x80000046;
	[dreg:$0x1] =	wrdreg $0xFFFFFFFF  }
0xa8: {  	s28 =	simm.s32 $_size_execute0_lowered;
	s4 =	sadd.s32 s4, s6;
	[dreg:$0x0] =	wrdreg $0x0  }
0xa9: {  	s6 =	sshll.u32 s28, $0x1;
	[dreg:$0x2] =	wrdreg s4  }
0xaa: {  	[dreg:$0x3] =	wrdreg s6  }
0xab: {  	[dreg:$0x4] =	wrdreg $0xC0  }
0xac: {  	_ =	task [dreg:s8], $0x5FFFF  }
0xad: {  	[dreg:$0x1] =	wrdreg $0xFFFFFFFF  }
0xae: {  	[dreg:$0x0] =	wrdreg $0x60  }
0xaf: {  	[dreg:$0x2] =	wrdreg s2  }
0xb0: {  	[dreg:$0x3] =	wrdreg s18  }
0xb1: {  	[dreg:$0x4] =	wrdreg s24  }
0xb2: {  	[dreg:$0x5] =	wrdreg $0x9  }
0xb3: {  	_ =	task.clear_ibuf [dreg:s8], $0x6FFFF;
	_ =	strace $0x90000046  }
0xb4: {  	s29 =	simm.s32 $0x9;
	_ =	strace $0x80000048  }
0xb5: {  	_ =	swait.ge [sflag:s29], $0x1  }
0xb6: {  	[sflag:s29] =	ssyncadd.s32 $0xFFFFFFFF  }
0xb7: {  	_ =	strace $0x90000048  }
0xb8: {  	_ =	sfence  }
0xb9: {  	s30 =	sld [smem:$0x0];
	_ =	sdelay $0x2  }
0xba: {  	s31 =	sshll.u32 s1, $0xD;
	s1 =	sshrl.u32 s1, $0x2  }
0xbb: {  	s3 =	sand.u32 $0x4000, s31;
	s1 =	sadd.s32 s1, s30  }
0xbc: {  	s0 =	sor.u32 s3, s0;
	s1 =	sshll.u32 s1, $0x11  }
0xbd: {  	s0 =	sor.u32 s1, s0  }
0xbe: {  	s0 =	sadd.s32 $0x8F2B, s0  }
0xbf: {  	[sflag:s0] =	ssyncadd.remote.s32 $0x1  }
0xc0: {  	_ =	sfence.sel $0xFFFF  }
0xc1: {  	[dreg:$0x0] =	wrdreg $0xFFFFFFFF;
	(pc) =	sbr.abs _section_cstart, $3  }
0xc2: {  	[dreg:$0x1] =	wrdreg $0xFFFFFFFF  }
0xc3: {  	_ =	task.clear_ibuf [dreg:s8], $0x2FFFF;
	_ =	strace $0x9FFFFFFF  }
0xc4: {  	(tm) =	ssettm $0x7FFFFFFF  }
0xc5: {  	_ =	shalt  }
tec
execute0_lowered:
.L_overlay_start_1:
0x0: {  	(tag) =	ssettag $0x1  }
0x1: {  	s1 =	rddreg [dreg:$0x0];
	s2 =	srdreg.scid  }
0x2: {  	s4 =	rddreg [dreg:$0x1];
	s0 =	stileid.u32  }
0x3: {  	s6 =	rddreg [dreg:$0x2];
	s3 =	simm.s32 $0x0;
	s10 =	simm.s32 $0x80  }
0x4: {  	s11 =	simm.s32 $0x880;
	s12 =	simm.s32 $0x1080;
	s13 =	simm.s32 $0x1880  }
0x5: {  	s14 =	simm.s32 $0x2080;
	s15 =	simm.s32 $0x2880;
	s16 =	simm.s32 $0x3080  }
0x6: {  	s17 =	simm.s32 $0x3880;
	s18 =	simm.s32 $0x4080;
	s19 =	simm.s32 $0x4880  }
0x7: {  	s20 =	simm.s32 $0x5080;
	s21 =	simm.s32 $0x5880;
	s5 =	sand.u32 $0x1, s2  }
0x8: {  	s22 =	simm.s32 $0x1;
	s7 =	sshll.u32 s0, $0x3;
	s8 =	sshll.u32 s5, $0x2  }
0x9: {  	s2 =	rddreg [dreg:$0x3];
	s5 =	ssub.s32 $0x2, s5;
	s7 =	sor.u32 s8, s7  }
0xa: {  	[smem:$0x7FF] =	sst s3;
	s9 =	sshrl.u32 s5, $0x1;
	s8 =	smul.u32 $0x300, s7  }
0xb: {  	v2 =	vlaneseq.u32;
	_ =	strace $0x80000047;
	s9 =	ssub.s32 s5, s9;
	s4 =	sadd.s32 s4, s7  }
0xc: {  	vm0 =	vmmov $0xffff;
	v1 =	vshrl.u32 v2, $0x3;
	s5 =	sadd.s32 $0x100, s1;
	s8 =	sadd.s32 s8, s6;
	s6 =	sadd.s32 $0x200, s1  }
0xd: {  	v0 =	vand.u32 $0x7, v2;
	v2 =	vor.u32 $0x8, v2;
	v1 =	vmul.u32 $0x8, v1;
	s7 =	sadd.s32 $0x4000, s8;
	s8 =	smax.u32 s9, $0x1;
	s9 =	simm.s32 $0x2  }
.LBB2_1:
0xe: {  	[tilespmem:s3], [sflag:$0x2] =	stream.linear.gather [hbm4b:s4+s3], $0x20, $0x38;
	[tilespmem:$0x6080] =	vst v63  }
0xf: {  	_ =	swait.ge [sflag:s9], $0x20  }
0x10: {  	[sflag:s9] =	ssyncset.done $0x0  }
0x11: {  	[sflag:s9] =	ssyncadd.s32 $0xFFFFFFE0  }
0x12: {  	v3 =	vld [tilespmem:$0x0];
	_ =	sdelay $0x4  }
0x13: {  	v4 =	vshrl.u32 v3, $0x3  }
0x14: {  	v4 =	vmul.u32 $0x30, v4  }
0x15: {  	v3 =	vand.u32 $0x7, v3  }
0x16: {  	v3 =	vor.u32 v3, v4  }
0x17: {  	v4 =	vperm.xlane v3, v0;
	_ =	sdelay $0x1  }
0x18: {  	v4 =	vadd.s32 v1, v4;
	_ =	sdelay $0x3  }
0x19: {  	v3 =	vperm.xlane v3, v2  }
0x1a: {  	[tilespmem:s10], [sflag:$0x1] =	stream.indirect_vreg.gather [hbm4b:s1+s3], $0x80, v4, vm0, $0xb8;
	[tilespmem:$0x6080] =	vst v63  }
0x1b: {  	v3 =	vadd.s32 v1, v3  }
0x1c: {  	[tilespmem:s11], [sflag:$0x1] =	stream.indirect_vreg.gather [hbm4b:s5+s3], $0x80, v4, vm0, $0xb8;
	[tilespmem:$0x6080] =	vst v63  }
0x1d: {  	_ = 	snop  }
0x1e: {  	[tilespmem:s12], [sflag:$0x1] =	stream.indirect_vreg.gather [hbm4b:s6+s3], $0x80, v4, vm0, $0xb8;
	[tilespmem:$0x6080] =	vst v63  }
0x1f: {  	_ = 	snop  }
0x20: {  	[tilespmem:s13], [sflag:$0x1] =	stream.indirect_vreg.gather [hbm4b:s1+s3], $0x80, v3, vm0, $0xb8;
	[tilespmem:$0x6080] =	vst v63  }
0x21: {  	_ = 	snop  }
0x22: {  	[tilespmem:s14], [sflag:$0x1] =	stream.indirect_vreg.gather [hbm4b:s5+s3], $0x80, v3, vm0, $0xb8;
	[tilespmem:$0x6080] =	vst v63  }
0x23: {  	_ = 	snop  }
0x24: {  	[tilespmem:s15], [sflag:$0x1] =	stream.indirect_vreg.gather [hbm4b:s6+s3], $0x80, v3, vm0, $0xb8;
	[tilespmem:$0x6080] =	vst v63  }
0x25: {  	v3 =	vld [tilespmem:$0x10];
	_ =	sdelay $0x4  }
0x26: {  	v63 =	vshrl.u32 v3, $0x3  }
0x27: {  	v4 =	vmul.u32 $0x30, v63  }
0x28: {  	v3 =	vand.u32 $0x7, v3  }
0x29: {  	v3 =	vor.u32 v3, v4  }
0x2a: {  	v4 =	vperm.xlane v3, v0;
	_ =	sdelay $0x1  }
0x2b: {  	v4 =	vadd.s32 v1, v4;
	_ =	sdelay $0x3  }
0x2c: {  	v3 =	vperm.xlane v3, v2  }
0x2d: {  	[tilespmem:s16], [sflag:$0x1] =	stream.indirect_vreg.gather [hbm4b:s1+s3], $0x80, v4, vm0, $0xb8;
	[tilespmem:$0x6080] =	vst v63  }
0x2e: {  	v3 =	vadd.s32 v1, v3  }
0x2f: {  	[tilespmem:s17], [sflag:$0x1] =	stream.indirect_vreg.gather [hbm4b:s5+s3], $0x80, v4, vm0, $0xb8;
	[tilespmem:$0x6080] =	vst v63  }
0x30: {  	_ = 	snop  }
0x31: {  	[tilespmem:s18], [sflag:$0x1] =	stream.indirect_vreg.gather [hbm4b:s6+s3], $0x80, v4, vm0, $0xb8;
	[tilespmem:$0x6080] =	vst v63  }
0x32: {  	_ = 	snop  }
0x33: {  	[tilespmem:s19], [sflag:$0x1] =	stream.indirect_vreg.gather [hbm4b:s1+s3], $0x80, v3, vm0, $0xb8;
	[tilespmem:$0x6080] =	vst v63  }
0x34: {  	_ = 	snop  }
0x35: {  	[tilespmem:s20], [sflag:$0x1] =	stream.indirect_vreg.gather [hbm4b:s5+s3], $0x80, v3, vm0, $0xb8;
	[tilespmem:$0x6080] =	vst v63  }
0x36: {  	_ = 	snop  }
0x37: {  	[tilespmem:s21], [sflag:$0x1] =	stream.indirect_vreg.gather [hbm4b:s6+s3], $0x80, v3, vm0, $0xb8;
	[tilespmem:$0x6080] =	vst v63  }
0x38: {  	_ =	swait.ge [sflag:s22], $0x6000  }
0x39: {  	p0 =	sne.s32 s8, $0x1;
	[sflag:s22] =	ssyncset.done $0x0  }
.Ltmp0:
0x3a: {  	[sflag:s22] =	ssyncadd.s32 $0xFFFFA000;
	(pc) =	sbr.rel @p0 .LBB2_1-.Ltmp0, $4  }
0x3b: {  	[hbm4b:s7+s3] =	stream.linear.scatter [tilespmem:s10], [sflag:$0x2], $0x6000, $0x38;
	[tilespmem:$0x6080] =	vst v63  }
0x3c: {  	_ =	swait.ge [sflag:s9], $0x6000  }
0x3d: {  	[sflag:s9] =	ssyncset.done $0x0  }
0x3e: {  	s8 =	sadd.s32 $0xFFFFFFFF, s8;
	[sflag:s9] =	ssyncadd.s32 $0xFFFFA000  }
0x3f: {  	_ =	sfence.sel $0x180000  }
0x40: {  	[bflag:$0x0] =	sbarrier.arrive $0xFFFF  }
0x41: {  	p0 =	sne.s32 s0, $0x0;
	_ =	strace $0x90000047  }
0x42: {  	s0 =	sadd.s32 @!p0 $0x100000, s2;
	[bflag:$0x2] =	sbarrier.arrive $0xFFFF  }
0x43: {  	[sflag:s0] =	ssyncadd.tile.s32 @!p0 $0x1;
	_ =	shalt  }
.Lfunc_end2:
_tile_overlayer_lowered:
.L_overlay_start_2:
0x44: {  	(tag) =	ssettag $0x2  }
0x45: {  	s0 =	rddreg [dreg:$0x0];
	s2 =	stileid.u32  }
0x46: {  	s1 =	rddreg [dreg:$0x1];
	p0 =	sne.s32 s2, $0x0  }
0x47: {  	s3 =	rddreg [dreg:$0x2];
	[bflag:$0x3] =	sbarrier.arrive $0xFFFF;
	s2 =	simm.s32 @!p0 $0x1C02  }
0x48: {  	[timem:s3], [sflag:s2] =	dma.local @!p0 [hbm:s0], s1  }
0x49: {  	s0 =	simm.s32 @!p0 $0x2  }
0x4a: {  	_ =	swait.ge @!p0 [sflag:s0], s1  }
0x4b: {  	s1 =	ssub.s32 @!p0 $0x0, s1;
	[sflag:s0] =	ssyncset.done @!p0 $0x0  }
0x4c: {  	[sflag:s0] =	ssyncadd.s32 @!p0 s1  }
0x4d: {  	[bflag:$0x3] =	sbarrier.arrive $0xFFFF  }
0x4e: {  	_ =	shalt  }

</sc_bundles>
